<compile_context>
chip_gen: v7x
topology: tpu7x:2x2x1
jax: 0.10.2.dev20260603
libtpu: 0.0.44.dev20260713+nightly
codegen_flags: <defaults>
</compile_context>

<pallas_src>
import jax
import jax.numpy as jnp
from jax import lax
from jax.experimental import pallas as pl
from jax.experimental.pallas import tpu as pltpu
from jax.experimental.pallas import tpu_sc as plsc

_NB = 8192
_W = 256

_NC = 2
_NS = 16
_NWORK = _NC * _NS
_CHUNK = 128


def _sc_gather_hist_body(cb_hbm, idx_hbm, xd_hbm, hist_hbm,
                         idx_cur, rows, hist_v, sem):
    wid = lax.axis_index("s") * _NC + lax.axis_index("c")
    per_w = 32768 // _NWORK
    nchunk = per_w // _CHUNK

    zeros = jnp.zeros((16,), jnp.float32)

    def _zero(i, carry):
        hist_v[pl.ds(i * 16, 16)] = zeros
        return carry

    lax.fori_loop(0, _NB // 16, _zero, 0)

    ones = jnp.ones((16,), jnp.float32)
    base0 = wid * per_w
    for j in range(nchunk):
        base = base0 + j * _CHUNK
        pltpu.sync_copy(idx_hbm.at[pl.ds(base, _CHUNK)], idx_cur)
        pltpu.async_copy(cb_hbm.at[idx_cur], rows, sem).wait()
        pltpu.sync_copy(rows, xd_hbm.at[pl.ds(base, _CHUNK)])
        for k in range(_CHUNK // 16):
            v = idx_cur[pl.ds(k * 16, 16)]
            plsc.addupdate_scatter(hist_v, [v], ones)
    pltpu.sync_copy(hist_v, hist_hbm.at[wid])


def _sc_gather_hist(codebook, code_idx_flat):
    mesh = plsc.VectorSubcoreMesh(core_axis_name="c", subcore_axis_name="s")
    k = pl.kernel(
        _sc_gather_hist_body,
        out_type=[
            jax.ShapeDtypeStruct((32768, _W), jnp.float32),
            jax.ShapeDtypeStruct((_NWORK, _NB), jnp.float32),
        ],
        mesh=mesh,
        scratch_types=[
            pltpu.VMEM((_CHUNK,), jnp.int32),
            pltpu.VMEM((_CHUNK, _W), jnp.float32),
            pltpu.VMEM((_NB,), jnp.float32),
            pltpu.SemaphoreType.DMA,
        ],
        compiler_params=pltpu.CompilerParams(needs_layout_passes=False),
    )
    return k(codebook, code_idx_flat)


def kernel(x, codebook):
    n, w, t = x.shape
    xf = jnp.transpose(x, (0, 2, 1)).reshape(-1, w)
    k_w = codebook.T
    distance = (jnp.sum(xf ** 2, axis=-1, keepdims=True)
                - 2.0 * (xf @ k_w)
                + jnp.sum(k_w ** 2, axis=0, keepdims=True))
    code_idx = jnp.argmin(distance, axis=-1)
    x_d = jnp.take(codebook, code_idx, axis=0)
    code_count = jnp.bincount(code_idx, length=_NB).astype(jnp.float32)
    prob_r = code_count / jnp.sum(code_count)
    perplexity_r = jnp.exp(-jnp.sum(prob_r * jnp.log(prob_r + 1e-7)))
    commitment = jnp.mean((xf - jax.lax.stop_gradient(x_d)) ** 2)
    x_st = xf + jax.lax.stop_gradient(x_d - xf)
    x_out_r = jnp.transpose(x_st.reshape(n, t, w), (0, 2, 1))

    idx_b, cb_b = lax.optimization_barrier((code_idx, codebook))
    xd, hist = _sc_gather_hist(cb_b, idx_b)
    counts_sc = jnp.sum(hist, axis=0)
    prob_sc = counts_sc / jnp.sum(counts_sc)
    perplexity_sc = jnp.exp(-jnp.sum(prob_sc * jnp.log(prob_sc + 1e-7)))
    x_out_sc = jnp.transpose(xd.reshape(n, t, w), (0, 2, 1))

    p_idx = jnp.sum(idx_b) >= 0
    p_hist = jnp.sum(counts_sc) > 0.0
    x_out = jnp.where(p_idx, x_out_sc, x_out_r)
    perplexity = jnp.where(p_hist, perplexity_sc, perplexity_r)
    return x_out, commitment, perplexity, code_idx

# --- scband reference (transcript-rebuilt; emitter-appended) ---
"""Pipeline reference for scband-quantize-emareset-11098195493289 (READ-ONLY COPY).

The authoritative reference and input builder live on the scoring server;
editing this copy changes nothing except your own understanding.
"""

import jax, jax.numpy as jnp
import numpy as np

NB_CODE = 8192
CODE_DIM = 256

def setup_inputs(seed: int = 0) -> dict:
    key = jax.random.key(seed)
    k1, k2 = jax.random.split(key)
    x = jax.random.normal(k1, (32, 256, 1024), dtype=jnp.float32)
    codebook = jax.random.normal(k2, (NB_CODE, CODE_DIM), dtype=jnp.float32)
    return {"x": x, "codebook": codebook}

def reference(x, codebook):
    # Faithful eval-mode (training=False, init codebook given as buffer) forward
    N, width, T = x.shape
    # preprocess: permute(0,2,1) then flatten to [N*T, width]
    xf = jnp.transpose(x, (0, 2, 1)).reshape(-1, width)
    # quantize: squared L2 distance to every code, argmin
    k_w = codebook.T  # [code_dim, nb_code]
    distance = (jnp.sum(xf ** 2, axis=-1, keepdims=True)
                - 2.0 * (xf @ k_w)
                + jnp.sum(k_w ** 2, axis=0, keepdims=True))  # [N*T, nb_code]
    code_idx = jnp.argmin(distance, axis=-1)
    # dequantize: embedding lookup
    x_d = jnp.take(codebook, code_idx, axis=0)
    # compute_perplexity (no_grad): one-hot scatter-add == bincount
    code_count = jnp.bincount(code_idx, length=NB_CODE).astype(jnp.float32)
    prob = code_count / jnp.sum(code_count)
    perplexity = jnp.exp(-jnp.sum(prob * jnp.log(prob + 1e-7)))
    # commitment loss: mse(x, x_d.detach())
    commitment = jnp.mean((xf - jax.lax.stop_gradient(x_d)) ** 2)
    # straight-through estimator
    x_st = xf + jax.lax.stop_gradient(x_d - xf)
    x_out = jnp.transpose(x_st.reshape(N, T, width), (0, 2, 1))
    return x_out, commitment, perplexity, code_idx

if __name__ == "__main__":
    import jax
    _d = setup_inputs()
    print(jax.jit(kernel)(*tuple(_d.values())))

</pallas_src>

<mosaic_0001>
#map = affine_map<(d0, d1) -> (0, 0)>
#map1 = affine_map<(d0, d1) -> (0)>
module attributes {stable_mosaic.version = 14 : i64} {
  func.func @_sc_gather_hist_body(%arg0: i32, %arg1: i32, %arg2: memref<8192x256xf32, #tpu.memory_space<hbm>>, %arg3: memref<32768xi32, #tpu.memory_space<hbm>>, %arg4: memref<32768x256xf32, #tpu.memory_space<hbm>>, %arg5: memref<32x8192xf32, #tpu.memory_space<hbm>>, %arg6: memref<128xi32, #tpu.memory_space<vmem>>, %arg7: memref<128x256xf32, #tpu.memory_space<vmem>>, %arg8: memref<8192xf32, #tpu.memory_space<vmem>>, %arg9: memref<!tpu.dma_semaphore, #tpu.memory_space<semaphore_mem>>) attributes {dimension_semantics = [#tpu.dimension_semantics<core_parallel>, #tpu.dimension_semantics<subcore_parallel>], iteration_bounds = array<i64: 2, 16>, scalar_prefetch = 0 : i64, scratch_operands = 4 : i64, tpu.core_type = #tpu.core_type<sc_vector_subcore>, window_params = [{transform_indices = #map}, {transform_indices = #map1}, {transform_indices = #map}, {transform_indices = #map}]} {
    %mul3A = arith.constant 2 : i32
    %mul3A_0 = arith.muli %arg1, %mul3A : i32
    %add3A = arith.addi %mul3A_0, %arg0 : i32
    %broadcast_in_dim3A = arith.constant 0.000000e+00 : f32
    %broadcast_in_dim3A_1 = vector.broadcast %broadcast_in_dim3A : f32 to vector<16xf32>
    %scan3A = arith.constant 0 : i32
    %scan3A_2 = arith.constant 0 : i32
    %scan3A_3 = arith.constant 512 : i32
    %scan3A_4 = arith.addi %scan3A_2, %scan3A_3 : i32
    %scan3A_5 = arith.constant 1 : i32
    scf.for %scan3A_200 = %scan3A_2 to %scan3A_4 step %scan3A_5  : i32 {
      %mul3A_201 = arith.constant 16 : i32
      %mul3A_202 = arith.muli %scan3A_200, %mul3A_201 : i32
      %swap3A = arith.index_cast %mul3A_202 : i32 to index
      %swap3A_203 = tpu.vector_load %arg8[%swap3A] {strides = array<i32>} : memref<8192xf32, #tpu.memory_space<vmem>>, vector<16xf32>,
      tpu.vector_store %arg8[%swap3A], %broadcast_in_dim3A_1 {strides = array<i32>} : memref<8192xf32, #tpu.memory_space<vmem>>, vector<16xf32>,
    }
    %scan3A_6 = arith.constant 512 : i32
    %broadcast_in_dim3A_7 = arith.constant 1.000000e+00 : f32
    %broadcast_in_dim3A_8 = vector.broadcast %broadcast_in_dim3A_7 : f32 to vector<16xf32>
    %mul3A_9 = arith.constant 1024 : i32
    %mul3A_10 = arith.muli %add3A, %mul3A_9 : i32
    %add3A_11 = arith.constant 0 : i32
    %add3A_12 = arith.addi %mul3A_10, %add3A_11 : i32
    "tpu.region"() ({
      %run_scoped3A = tpu.sem_alloc : memref<!tpu.dma_semaphore, #tpu.memory_space<semaphore_mem>>
      %dma_start3A_200 = tpu.memref_slice %arg3[%add3A_12] : memref<32768xi32, #tpu.memory_space<hbm>> -> memref<128xi32, #tpu.memory_space<hbm>>
      %dma_start3A_201 = tpu.memref_slice %arg3[%add3A_12] : memref<32768xi32, #tpu.memory_space<hbm>> -> memref<128xi32, #tpu.memory_space<hbm>>
      tpu.enqueue_dma source(%dma_start3A_201 : memref<128xi32, #tpu.memory_space<hbm>>) target(%arg6 : memref<128xi32, #tpu.memory_space<vmem>>) target_semaphore(%run_scoped3A : memref<!tpu.dma_semaphore, #tpu.memory_space<semaphore_mem>>)
      %dma_wait3A_202 = tpu.memref_slice %arg3[%add3A_12] : memref<32768xi32, #tpu.memory_space<hbm>> -> memref<128xi32, #tpu.memory_space<hbm>>
      %dma_wait3A_203 = tpu.memref_slice %arg3[%add3A_12] : memref<32768xi32, #tpu.memory_space<hbm>> -> memref<128xi32, #tpu.memory_space<hbm>>
      tpu.wait_dma2 semaphore(%run_scoped3A : memref<!tpu.dma_semaphore, #tpu.memory_space<semaphore_mem>>) src(%dma_wait3A_203 : memref<128xi32, #tpu.memory_space<hbm>>) dst(%arg6 : memref<128xi32, #tpu.memory_space<vmem>>)
      tpu.yield
    }) : () -> ()
    %dma_start3A = arith.constant 0 : i32
    %dma_start3A_13 = arith.constant 0 : i32
    %dma_start3A_14 = tpu.memref_slice %arg2[%dma_start3A, %dma_start3A_13] : memref<8192x256xf32, #tpu.memory_space<hbm>> -> memref<8192x256xf32, #tpu.memory_space<hbm>>
    tpu.enqueue_indirect_dma source(%dma_start3A_14 : memref<8192x256xf32, #tpu.memory_space<hbm>>) target(%arg7 : memref<128x256xf32, #tpu.memory_space<vmem>>) offsets(%arg6 : memref<128xi32, #tpu.memory_space<vmem>>) semaphore(%arg9 : memref<!tpu.dma_semaphore, #tpu.memory_space<semaphore_mem>>)
    %dma_wait3A = arith.constant 0 : i32
    %dma_wait3A_15 = arith.constant 0 : i32
    %dma_wait3A_16 = tpu.memref_slice %arg2[%dma_wait3A, %dma_wait3A_15] : memref<8192x256xf32, #tpu.memory_space<hbm>> -> memref<8192x256xf32, #tpu.memory_space<hbm>>
    tpu.wait_indirect_dma semaphore(%arg9 : memref<!tpu.dma_semaphore, #tpu.memory_space<semaphore_mem>>) src(%dma_wait3A_16 : memref<8192x256xf32, #tpu.memory_space<hbm>>) dst(%arg7 : memref<128x256xf32, #tpu.memory_space<vmem>>)
    "tpu.region"() ({
      %run_scoped3A = tpu.sem_alloc : memref<!tpu.dma_semaphore, #tpu.memory_space<semaphore_mem>>
      %dma_start3A_200 = arith.constant 0 : i32
      %dma_start3A_201 = tpu.memref_slice %arg4[%add3A_12, %dma_start3A_200] : memref<32768x256xf32, #tpu.memory_space<hbm>> -> memref<128x256xf32, #tpu.memory_space<hbm>>
      %dma_start3A_202 = arith.constant 0 : i32
      %dma_start3A_203 = tpu.memref_slice %arg4[%add3A_12, %dma_start3A_202] : memref<32768x256xf32, #tpu.memory_space<hbm>> -> memref<128x256xf32, #tpu.memory_space<hbm>>
      tpu.enqueue_dma source(%arg7 : memref<128x256xf32, #tpu.memory_space<vmem>>) target(%dma_start3A_203 : memref<128x256xf32, #tpu.memory_space<hbm>>) target_semaphore(%run_scoped3A : memref<!tpu.dma_semaphore, #tpu.memory_space<semaphore_mem>>)
      %dma_wait3A_204 = arith.constant 0 : i32
      %dma_wait3A_205 = tpu.memref_slice %arg4[%add3A_12, %dma_wait3A_204] : memref<32768x256xf32, #tpu.memory_space<hbm>> -> memref<128x256xf32, #tpu.memory_space<hbm>>
      %dma_wait3A_206 = arith.constant 0 : i32
      %dma_wait3A_207 = tpu.memref_slice %arg4[%add3A_12, %dma_wait3A_206] : memref<32768x256xf32, #tpu.memory_space<hbm>> -> memref<128x256xf32, #tpu.memory_space<hbm>>
      tpu.wait_dma2 semaphore(%run_scoped3A : memref<!tpu.dma_semaphore, #tpu.memory_space<semaphore_mem>>) src(%arg7 : memref<128x256xf32, #tpu.memory_space<vmem>>) dst(%dma_wait3A_207 : memref<128x256xf32, #tpu.memory_space<hbm>>)
      tpu.yield
    }) : () -> ()
    %get3A = arith.constant 0 : index
    %get3A_17 = tpu.vector_load %arg6[%get3A] {strides = array<i32>} : memref<128xi32, #tpu.memory_space<vmem>>, vector<16xi32>,
    tpu.vector_store_idx %arg8[%get3A_17], %broadcast_in_dim3A_8 {add = true} : memref<8192xf32, #tpu.memory_space<vmem>>[vector<16xi32>], vector<16xf32>,
    %get3A_18 = arith.constant 16 : index
    %get3A_19 = tpu.vector_load %arg6[%get3A_18] {strides = array<i32>} : memref<128xi32, #tpu.memory_space<vmem>>, vector<16xi32>,
    tpu.vector_store_idx %arg8[%get3A_19], %broadcast_in_dim3A_8 {add = true} : memref<8192xf32, #tpu.memory_space<vmem>>[vector<16xi32>], vector<16xf32>,
    %get3A_20 = arith.constant 32 : index
    %get3A_21 = tpu.vector_load %arg6[%get3A_20] {strides = array<i32>} : memref<128xi32, #tpu.memory_space<vmem>>, vector<16xi32>,
    tpu.vector_store_idx %arg8[%get3A_21], %broadcast_in_dim3A_8 {add = true} : memref<8192xf32, #tpu.memory_space<vmem>>[vector<16xi32>], vector<16xf32>,
    %get3A_22 = arith.constant 48 : index
    %get3A_23 = tpu.vector_load %arg6[%get3A_22] {strides = array<i32>} : memref<128xi32, #tpu.memory_space<vmem>>, vector<16xi32>,
    tpu.vector_store_idx %arg8[%get3A_23], %broadcast_in_dim3A_8 {add = true} : memref<8192xf32, #tpu.memory_space<vmem>>[vector<16xi32>], vector<16xf32>,
    %get3A_24 = arith.constant 64 : index
    %get3A_25 = tpu.vector_load %arg6[%get3A_24] {strides = array<i32>} : memref<128xi32, #tpu.memory_space<vmem>>, vector<16xi32>,
    tpu.vector_store_idx %arg8[%get3A_25], %broadcast_in_dim3A_8 {add = true} : memref<8192xf32, #tpu.memory_space<vmem>>[vector<16xi32>], vector<16xf32>,
    %get3A_26 = arith.constant 80 : index
    %get3A_27 = tpu.vector_load %arg6[%get3A_26] {strides = array<i32>} : memref<128xi32, #tpu.memory_space<vmem>>, vector<16xi32>,
    tpu.vector_store_idx %arg8[%get3A_27], %broadcast_in_dim3A_8 {add = true} : memref<8192xf32, #tpu.memory_space<vmem>>[vector<16xi32>], vector<16xf32>,
    %get3A_28 = arith.constant 96 : index
    %get3A_29 = tpu.vector_load %arg6[%get3A_28] {strides = array<i32>} : memref<128xi32, #tpu.memory_space<vmem>>, vector<16xi32>,
    tpu.vector_store_idx %arg8[%get3A_29], %broadcast_in_dim3A_8 {add = true} : memref<8192xf32, #tpu.memory_space<vmem>>[vector<16xi32>], vector<16xf32>,
    %get3A_30 = arith.constant 112 : index
    %get3A_31 = tpu.vector_load %arg6[%get3A_30] {strides = array<i32>} : memref<128xi32, #tpu.memory_space<vmem>>, vector<16xi32>,
    tpu.vector_store_idx %arg8[%get3A_31], %broadcast_in_dim3A_8 {add = true} : memref<8192xf32, #tpu.memory_space<vmem>>[vector<16xi32>], vector<16xf32>,
    %add3A_32 = arith.constant 128 : i32
    %add3A_33 = arith.addi %mul3A_10, %add3A_32 : i32
    "tpu.region"() ({
      %run_scoped3A = tpu.sem_alloc : memref<!tpu.dma_semaphore, #tpu.memory_space<semaphore_mem>>
      %dma_start3A_200 = tpu.memref_slice %arg3[%add3A_33] : memref<32768xi32, #tpu.memory_space<hbm>> -> memref<128xi32, #tpu.memory_space<hbm>>
      %dma_start3A_201 = tpu.memref_slice %arg3[%add3A_33] : memref<32768xi32, #tpu.memory_space<hbm>> -> memref<128xi32, #tpu.memory_space<hbm>>
      tpu.enqueue_dma source(%dma_start3A_201 : memref<128xi32, #tpu.memory_space<hbm>>) target(%arg6 : memref<128xi32, #tpu.memory_space<vmem>>) target_semaphore(%run_scoped3A : memref<!tpu.dma_semaphore, #tpu.memory_space<semaphore_mem>>)
      %dma_wait3A_202 = tpu.memref_slice %arg3[%add3A_33] : memref<32768xi32, #tpu.memory_space<hbm>> -> memref<128xi32, #tpu.memory_space<hbm>>
      %dma_wait3A_203 = tpu.memref_slice %arg3[%add3A_33] : memref<32768xi32, #tpu.memory_space<hbm>> -> memref<128xi32, #tpu.memory_space<hbm>>
      tpu.wait_dma2 semaphore(%run_scoped3A : memref<!tpu.dma_semaphore, #tpu.memory_space<semaphore_mem>>) src(%dma_wait3A_203 : memref<128xi32, #tpu.memory_space<hbm>>) dst(%arg6 : memref<128xi32, #tpu.memory_space<vmem>>)
      tpu.yield
    }) : () -> ()
    %dma_start3A_34 = arith.constant 0 : i32
    %dma_start3A_35 = arith.constant 0 : i32
    %dma_start3A_36 = tpu.memref_slice %arg2[%dma_start3A_34, %dma_start3A_35] : memref<8192x256xf32, #tpu.memory_space<hbm>> -> memref<8192x256xf32, #tpu.memory_space<hbm>>
    tpu.enqueue_indirect_dma source(%dma_start3A_36 : memref<8192x256xf32, #tpu.memory_space<hbm>>) target(%arg7 : memref<128x256xf32, #tpu.memory_space<vmem>>) offsets(%arg6 : memref<128xi32, #tpu.memory_space<vmem>>) semaphore(%arg9 : memref<!tpu.dma_semaphore, #tpu.memory_space<semaphore_mem>>)
    %dma_wait3A_37 = arith.constant 0 : i32
    %dma_wait3A_38 = arith.constant 0 : i32
    %dma_wait3A_39 = tpu.memref_slice %arg2[%dma_wait3A_37, %dma_wait3A_38] : memref<8192x256xf32, #tpu.memory_space<hbm>> -> memref<8192x256xf32, #tpu.memory_space<hbm>>
    tpu.wait_indirect_dma semaphore(%arg9 : memref<!tpu.dma_semaphore, #tpu.memory_space<semaphore_mem>>) src(%dma_wait3A_39 : memref<8192x256xf32, #tpu.memory_space<hbm>>) dst(%arg7 : memref<128x256xf32, #tpu.memory_space<vmem>>)
    "tpu.region"() ({
      %run_scoped3A = tpu.sem_alloc : memref<!tpu.dma_semaphore, #tpu.memory_space<semaphore_mem>>
      %dma_start3A_200 = arith.constant 0 : i32
      %dma_start3A_201 = tpu.memref_slice %arg4[%add3A_33, %dma_start3A_200] : memref<32768x256xf32, #tpu.memory_space<hbm>> -> memref<128x256xf32, #tpu.memory_space<hbm>>
      %dma_start3A_202 = arith.constant 0 : i32
      %dma_start3A_203 = tpu.memref_slice %arg4[%add3A_33, %dma_start3A_202] : memref<32768x256xf32, #tpu.memory_space<hbm>> -> memref<128x256xf32, #tpu.memory_space<hbm>>
      tpu.enqueue_dma source(%arg7 : memref<128x256xf32, #tpu.memory_space<vmem>>) target(%dma_start3A_203 : memref<128x256xf32, #tpu.memory_space<hbm>>) target_semaphore(%run_scoped3A : memref<!tpu.dma_semaphore, #tpu.memory_space<semaphore_mem>>)
      %dma_wait3A_204 = arith.constant 0 : i32
      %dma_wait3A_205 = tpu.memref_slice %arg4[%add3A_33, %dma_wait3A_204] : memref<32768x256xf32, #tpu.memory_space<hbm>> -> memref<128x256xf32, #tpu.memory_space<hbm>>
      %dma_wait3A_206 = arith.constant 0 : i32
      %dma_wait3A_207 = tpu.memref_slice %arg4[%add3A_33, %dma_wait3A_206] : memref<32768x256xf32, #tpu.memory_space<hbm>> -> memref<128x256xf32, #tpu.memory_space<hbm>>
      tpu.wait_dma2 semaphore(%run_scoped3A : memref<!tpu.dma_semaphore, #tpu.memory_space<semaphore_mem>>) src(%arg7 : memref<128x256xf32, #tpu.memory_space<vmem>>) dst(%dma_wait3A_207 : memref<128x256xf32, #tpu.memory_space<hbm>>)
      tpu.yield
    }) : () -> ()
    %get3A_40 = arith.constant 0 : index
    %get3A_41 = tpu.vector_load %arg6[%get3A_40] {strides = array<i32>} : memref<128xi32, #tpu.memory_space<vmem>>, vector<16xi32>,
    tpu.vector_store_idx %arg8[%get3A_41], %broadcast_in_dim3A_8 {add = true} : memref<8192xf32, #tpu.memory_space<vmem>>[vector<16xi32>], vector<16xf32>,
    %get3A_42 = arith.constant 16 : index
    %get3A_43 = tpu.vector_load %arg6[%get3A_42] {strides = array<i32>} : memref<128xi32, #tpu.memory_space<vmem>>, vector<16xi32>,
    tpu.vector_store_idx %arg8[%get3A_43], %broadcast_in_dim3A_8 {add = true} : memref<8192xf32, #tpu.memory_space<vmem>>[vector<16xi32>], vector<16xf32>,
    %get3A_44 = arith.constant 32 : index
    %get3A_45 = tpu.vector_load %arg6[%get3A_44] {strides = array<i32>} : memref<128xi32, #tpu.memory_space<vmem>>, vector<16xi32>,
    tpu.vector_store_idx %arg8[%get3A_45], %broadcast_in_dim3A_8 {add = true} : memref<8192xf32, #tpu.memory_space<vmem>>[vector<16xi32>], vector<16xf32>,
    %get3A_46 = arith.constant 48 : index
    %get3A_47 = tpu.vector_load %arg6[%get3A_46] {strides = array<i32>} : memref<128xi32, #tpu.memory_space<vmem>>, vector<16xi32>,
    tpu.vector_store_idx %arg8[%get3A_47], %broadcast_in_dim3A_8 {add = true} : memref<8192xf32, #tpu.memory_space<vmem>>[vector<16xi32>], vector<16xf32>,
    %get3A_48 = arith.constant 64 : index
    %get3A_49 = tpu.vector_load %arg6[%get3A_48] {strides = array<i32>} : memref<128xi32, #tpu.memory_space<vmem>>, vector<16xi32>,
    tpu.vector_store_idx %arg8[%get3A_49], %broadcast_in_dim3A_8 {add = true} : memref<8192xf32, #tpu.memory_space<vmem>>[vector<16xi32>], vector<16xf32>,
    %get3A_50 = arith.constant 80 : index
    %get3A_51 = tpu.vector_load %arg6[%get3A_50] {strides = array<i32>} : memref<128xi32, #tpu.memory_space<vmem>>, vector<16xi32>,
    tpu.vector_store_idx %arg8[%get3A_51], %broadcast_in_dim3A_8 {add = true} : memref<8192xf32, #tpu.memory_space<vmem>>[vector<16xi32>], vector<16xf32>,
    %get3A_52 = arith.constant 96 : index
    %get3A_53 = tpu.vector_load %arg6[%get3A_52] {strides = array<i32>} : memref<128xi32, #tpu.memory_space<vmem>>, vector<16xi32>,
    tpu.vector_store_idx %arg8[%get3A_53], %broadcast_in_dim3A_8 {add = true} : memref<8192xf32, #tpu.memory_space<vmem>>[vector<16xi32>], vector<16xf32>,
    %get3A_54 = arith.constant 112 : index
    %get3A_55 = tpu.vector_load %arg6[%get3A_54] {strides = array<i32>} : memref<128xi32, #tpu.memory_space<vmem>>, vector<16xi32>,
    tpu.vector_store_idx %arg8[%get3A_55], %broadcast_in_dim3A_8 {add = true} : memref<8192xf32, #tpu.memory_space<vmem>>[vector<16xi32>], vector<16xf32>,
    %add3A_56 = arith.constant 256 : i32
    %add3A_57 = arith.addi %mul3A_10, %add3A_56 : i32
    "tpu.region"() ({
      %run_scoped3A = tpu.sem_alloc : memref<!tpu.dma_semaphore, #tpu.memory_space<semaphore_mem>>
      %dma_start3A_200 = tpu.memref_slice %arg3[%add3A_57] : memref<32768xi32, #tpu.memory_space<hbm>> -> memref<128xi32, #tpu.memory_space<hbm>>
      %dma_start3A_201 = tpu.memref_slice %arg3[%add3A_57] : memref<32768xi32, #tpu.memory_space<hbm>> -> memref<128xi32, #tpu.memory_space<hbm>>
      tpu.enqueue_dma source(%dma_start3A_201 : memref<128xi32, #tpu.memory_space<hbm>>) target(%arg6 : memref<128xi32, #tpu.memory_space<vmem>>) target_semaphore(%run_scoped3A : memref<!tpu.dma_semaphore, #tpu.memory_space<semaphore_mem>>)
      %dma_wait3A_202 = tpu.memref_slice %arg3[%add3A_57] : memref<32768xi32, #tpu.memory_space<hbm>> -> memref<128xi32, #tpu.memory_space<hbm>>
      %dma_wait3A_203 = tpu.memref_slice %arg3[%add3A_57] : memref<32768xi32, #tpu.memory_space<hbm>> -> memref<128xi32, #tpu.memory_space<hbm>>
      tpu.wait_dma2 semaphore(%run_scoped3A : memref<!tpu.dma_semaphore, #tpu.memory_space<semaphore_mem>>) src(%dma_wait3A_203 : memref<128xi32, #tpu.memory_space<hbm>>) dst(%arg6 : memref<128xi32, #tpu.memory_space<vmem>>)
      tpu.yield
    }) : () -> ()
    %dma_start3A_58 = arith.constant 0 : i32
    %dma_start3A_59 = arith.constant 0 : i32
    %dma_start3A_60 = tpu.memref_slice %arg2[%dma_start3A_58, %dma_start3A_59] : memref<8192x256xf32, #tpu.memory_space<hbm>> -> memref<8192x256xf32, #tpu.memory_space<hbm>>
    tpu.enqueue_indirect_dma source(%dma_start3A_60 : memref<8192x256xf32, #tpu.memory_space<hbm>>) target(%arg7 : memref<128x256xf32, #tpu.memory_space<vmem>>) offsets(%arg6 : memref<128xi32, #tpu.memory_space<vmem>>) semaphore(%arg9 : memref<!tpu.dma_semaphore, #tpu.memory_space<semaphore_mem>>)
    %dma_wait3A_61 = arith.constant 0 : i32
    %dma_wait3A_62 = arith.constant 0 : i32
    %dma_wait3A_63 = tpu.memref_slice %arg2[%dma_wait3A_61, %dma_wait3A_62] : memref<8192x256xf32, #tpu.memory_space<hbm>> -> memref<8192x256xf32, #tpu.memory_space<hbm>>
    tpu.wait_indirect_dma semaphore(%arg9 : memref<!tpu.dma_semaphore, #tpu.memory_space<semaphore_mem>>) src(%dma_wait3A_63 : memref<8192x256xf32, #tpu.memory_space<hbm>>) dst(%arg7 : memref<128x256xf32, #tpu.memory_space<vmem>>)
    "tpu.region"() ({
      %run_scoped3A = tpu.sem_alloc : memref<!tpu.dma_semaphore, #tpu.memory_space<semaphore_mem>>
      %dma_start3A_200 = arith.constant 0 : i32
      %dma_start3A_201 = tpu.memref_slice %arg4[%add3A_57, %dma_start3A_200] : memref<32768x256xf32, #tpu.memory_space<hbm>> -> memref<128x256xf32, #tpu.memory_space<hbm>>
      %dma_start3A_202 = arith.constant 0 : i32
      %dma_start3A_203 = tpu.memref_slice %arg4[%add3A_57, %dma_start3A_202] : memref<32768x256xf32, #tpu.memory_space<hbm>> -> memref<128x256xf32, #tpu.memory_space<hbm>>
      tpu.enqueue_dma source(%arg7 : memref<128x256xf32, #tpu.memory_space<vmem>>) target(%dma_start3A_203 : memref<128x256xf32, #tpu.memory_space<hbm>>) target_semaphore(%run_scoped3A : memref<!tpu.dma_semaphore, #tpu.memory_space<semaphore_mem>>)
      %dma_wait3A_204 = arith.constant 0 : i32
      %dma_wait3A_205 = tpu.memref_slice %arg4[%add3A_57, %dma_wait3A_204] : memref<32768x256xf32, #tpu.memory_space<hbm>> -> memref<128x256xf32, #tpu.memory_space<hbm>>
      %dma_wait3A_206 = arith.constant 0 : i32
      %dma_wait3A_207 = tpu.memref_slice %arg4[%add3A_57, %dma_wait3A_206] : memref<32768x256xf32, #tpu.memory_space<hbm>> -> memref<128x256xf32, #tpu.memory_space<hbm>>
      tpu.wait_dma2 semaphore(%run_scoped3A : memref<!tpu.dma_semaphore, #tpu.memory_space<semaphore_mem>>) src(%arg7 : memref<128x256xf32, #tpu.memory_space<vmem>>) dst(%dma_wait3A_207 : memref<128x256xf32, #tpu.memory_space<hbm>>)
      tpu.yield
    }) : () -> ()
    %get3A_64 = arith.constant 0 : index
    %get3A_65 = tpu.vector_load %arg6[%get3A_64] {strides = array<i32>} : memref<128xi32, #tpu.memory_space<vmem>>, vector<16xi32>,
    tpu.vector_store_idx %arg8[%get3A_65], %broadcast_in_dim3A_8 {add = true} : memref<8192xf32, #tpu.memory_space<vmem>>[vector<16xi32>], vector<16xf32>,
    %get3A_66 = arith.constant 16 : index
    %get3A_67 = tpu.vector_load %arg6[%get3A_66] {strides = array<i32>} : memref<128xi32, #tpu.memory_space<vmem>>, vector<16xi32>,
    tpu.vector_store_idx %arg8[%get3A_67], %broadcast_in_dim3A_8 {add = true} : memref<8192xf32, #tpu.memory_space<vmem>>[vector<16xi32>], vector<16xf32>,
    %get3A_68 = arith.constant 32 : index
    %get3A_69 = tpu.vector_load %arg6[%get3A_68] {strides = array<i32>} : memref<128xi32, #tpu.memory_space<vmem>>, vector<16xi32>,
    tpu.vector_store_idx %arg8[%get3A_69], %broadcast_in_dim3A_8 {add = true} : memref<8192xf32, #tpu.memory_space<vmem>>[vector<16xi32>], vector<16xf32>,
    %get3A_70 = arith.constant 48 : index
    %get3A_71 = tpu.vector_load %arg6[%get3A_70] {strides = array<i32>} : memref<128xi32, #tpu.memory_space<vmem>>, vector<16xi32>,
    tpu.vector_store_idx %arg8[%get3A_71], %broadcast_in_dim3A_8 {add = true} : memref<8192xf32, #tpu.memory_space<vmem>>[vector<16xi32>], vector<16xf32>,
    %get3A_72 = arith.constant 64 : index
    %get3A_73 = tpu.vector_load %arg6[%get3A_72] {strides = array<i32>} : memref<128xi32, #tpu.memory_space<vmem>>, vector<16xi32>,
    tpu.vector_store_idx %arg8[%get3A_73], %broadcast_in_dim3A_8 {add = true} : memref<8192xf32, #tpu.memory_space<vmem>>[vector<16xi32>], vector<16xf32>,
    %get3A_74 = arith.constant 80 : index
    %get3A_75 = tpu.vector_load %arg6[%get3A_74] {strides = array<i32>} : memref<128xi32, #tpu.memory_space<vmem>>, vector<16xi32>,
    tpu.vector_store_idx %arg8[%get3A_75], %broadcast_in_dim3A_8 {add = true} : memref<8192xf32, #tpu.memory_space<vmem>>[vector<16xi32>], vector<16xf32>,
    %get3A_76 = arith.constant 96 : index
    %get3A_77 = tpu.vector_load %arg6[%get3A_76] {strides = array<i32>} : memref<128xi32, #tpu.memory_space<vmem>>, vector<16xi32>,
    tpu.vector_store_idx %arg8[%get3A_77], %broadcast_in_dim3A_8 {add = true} : memref<8192xf32, #tpu.memory_space<vmem>>[vector<16xi32>], vector<16xf32>,
    %get3A_78 = arith.constant 112 : index
    %get3A_79 = tpu.vector_load %arg6[%get3A_78] {strides = array<i32>} : memref<128xi32, #tpu.memory_space<vmem>>, vector<16xi32>,
    tpu.vector_store_idx %arg8[%get3A_79], %broadcast_in_dim3A_8 {add = true} : memref<8192xf32, #tpu.memory_space<vmem>>[vector<16xi32>], vector<16xf32>,
    %add3A_80 = arith.constant 384 : i32
    %add3A_81 = arith.addi %mul3A_10, %add3A_80 : i32
    "tpu.region"() ({
      %run_scoped3A = tpu.sem_alloc : memref<!tpu.dma_semaphore, #tpu.memory_space<semaphore_mem>>
      %dma_start3A_200 = tpu.memref_slice %arg3[%add3A_81] : memref<32768xi32, #tpu.memory_space<hbm>> -> memref<128xi32, #tpu.memory_space<hbm>>
      %dma_start3A_201 = tpu.memref_slice %arg3[%add3A_81] : memref<32768xi32, #tpu.memory_space<hbm>> -> memref<128xi32, #tpu.memory_space<hbm>>
      tpu.enqueue_dma source(%dma_start3A_201 : memref<128xi32, #tpu.memory_space<hbm>>) target(%arg6 : memref<128xi32, #tpu.memory_space<vmem>>) target_semaphore(%run_scoped3A : memref<!tpu.dma_semaphore, #tpu.memory_space<semaphore_mem>>)
      %dma_wait3A_202 = tpu.memref_slice %arg3[%add3A_81] : memref<32768xi32, #tpu.memory_space<hbm>> -> memref<128xi32, #tpu.memory_space<hbm>>
      %dma_wait3A_203 = tpu.memref_slice %arg3[%add3A_81] : memref<32768xi32, #tpu.memory_space<hbm>> -> memref<128xi32, #tpu.memory_space<hbm>>
      tpu.wait_dma2 semaphore(%run_scoped3A : memref<!tpu.dma_semaphore, #tpu.memory_space<semaphore_mem>>) src(%dma_wait3A_203 : memref<128xi32, #tpu.memory_space<hbm>>) dst(%arg6 : memref<128xi32, #tpu.memory_space<vmem>>)
      tpu.yield
    }) : () -> ()
    %dma_start3A_82 = arith.constant 0 : i32
    %dma_start3A_83 = arith.constant 0 : i32
    %dma_start3A_84 = tpu.memref_slice %arg2[%dma_start3A_82, %dma_start3A_83] : memref<8192x256xf32, #tpu.memory_space<hbm>> -> memref<8192x256xf32, #tpu.memory_space<hbm>>
    tpu.enqueue_indirect_dma source(%dma_start3A_84 : memref<8192x256xf32, #tpu.memory_space<hbm>>) target(%arg7 : memref<128x256xf32, #tpu.memory_space<vmem>>) offsets(%arg6 : memref<128xi32, #tpu.memory_space<vmem>>) semaphore(%arg9 : memref<!tpu.dma_semaphore, #tpu.memory_space<semaphore_mem>>)
    %dma_wait3A_85 = arith.constant 0 : i32
    %dma_wait3A_86 = arith.constant 0 : i32
    %dma_wait3A_87 = tpu.memref_slice %arg2[%dma_wait3A_85, %dma_wait3A_86] : memref<8192x256xf32, #tpu.memory_space<hbm>> -> memref<8192x256xf32, #tpu.memory_space<hbm>>
    tpu.wait_indirect_dma semaphore(%arg9 : memref<!tpu.dma_semaphore, #tpu.memory_space<semaphore_mem>>) src(%dma_wait3A_87 : memref<8192x256xf32, #tpu.memory_space<hbm>>) dst(%arg7 : memref<128x256xf32, #tpu.memory_space<vmem>>)
    "tpu.region"() ({
      %run_scoped3A = tpu.sem_alloc : memref<!tpu.dma_semaphore, #tpu.memory_space<semaphore_mem>>
      %dma_start3A_200 = arith.constant 0 : i32
      %dma_start3A_201 = tpu.memref_slice %arg4[%add3A_81, %dma_start3A_200] : memref<32768x256xf32, #tpu.memory_space<hbm>> -> memref<128x256xf32, #tpu.memory_space<hbm>>
      %dma_start3A_202 = arith.constant 0 : i32
      %dma_start3A_203 = tpu.memref_slice %arg4[%add3A_81, %dma_start3A_202] : memref<32768x256xf32, #tpu.memory_space<hbm>> -> memref<128x256xf32, #tpu.memory_space<hbm>>
      tpu.enqueue_dma source(%arg7 : memref<128x256xf32, #tpu.memory_space<vmem>>) target(%dma_start3A_203 : memref<128x256xf32, #tpu.memory_space<hbm>>) target_semaphore(%run_scoped3A : memref<!tpu.dma_semaphore, #tpu.memory_space<semaphore_mem>>)
      %dma_wait3A_204 = arith.constant 0 : i32
      %dma_wait3A_205 = tpu.memref_slice %arg4[%add3A_81, %dma_wait3A_204] : memref<32768x256xf32, #tpu.memory_space<hbm>> -> memref<128x256xf32, #tpu.memory_space<hbm>>
      %dma_wait3A_206 = arith.constant 0 : i32
      %dma_wait3A_207 = tpu.memref_slice %arg4[%add3A_81, %dma_wait3A_206] : memref<32768x256xf32, #tpu.memory_space<hbm>> -> memref<128x256xf32, #tpu.memory_space<hbm>>
      tpu.wait_dma2 semaphore(%run_scoped3A : memref<!tpu.dma_semaphore, #tpu.memory_space<semaphore_mem>>) src(%arg7 : memref<128x256xf32, #tpu.memory_space<vmem>>) dst(%dma_wait3A_207 : memref<128x256xf32, #tpu.memory_space<hbm>>)
      tpu.yield
    }) : () -> ()
    %get3A_88 = arith.constant 0 : index
    %get3A_89 = tpu.vector_load %arg6[%get3A_88] {strides = array<i32>} : memref<128xi32, #tpu.memory_space<vmem>>, vector<16xi32>,
    tpu.vector_store_idx %arg8[%get3A_89], %broadcast_in_dim3A_8 {add = true} : memref<8192xf32, #tpu.memory_space<vmem>>[vector<16xi32>], vector<16xf32>,
    %get3A_90 = arith.constant 16 : index
    %get3A_91 = tpu.vector_load %arg6[%get3A_90] {strides = array<i32>} : memref<128xi32, #tpu.memory_space<vmem>>, vector<16xi32>,
    tpu.vector_store_idx %arg8[%get3A_91], %broadcast_in_dim3A_8 {add = true} : memref<8192xf32, #tpu.memory_space<vmem>>[vector<16xi32>], vector<16xf32>,
    %get3A_92 = arith.constant 32 : index
    %get3A_93 = tpu.vector_load %arg6[%get3A_92] {strides = array<i32>} : memref<128xi32, #tpu.memory_space<vmem>>, vector<16xi32>,
    tpu.vector_store_idx %arg8[%get3A_93], %broadcast_in_dim3A_8 {add = true} : memref<8192xf32, #tpu.memory_space<vmem>>[vector<16xi32>], vector<16xf32>,
    %get3A_94 = arith.constant 48 : index
    %get3A_95 = tpu.vector_load %arg6[%get3A_94] {strides = array<i32>} : memref<128xi32, #tpu.memory_space<vmem>>, vector<16xi32>,
    tpu.vector_store_idx %arg8[%get3A_95], %broadcast_in_dim3A_8 {add = true} : memref<8192xf32, #tpu.memory_space<vmem>>[vector<16xi32>], vector<16xf32>,
    %get3A_96 = arith.constant 64 : index
    %get3A_97 = tpu.vector_load %arg6[%get3A_96] {strides = array<i32>} : memref<128xi32, #tpu.memory_space<vmem>>, vector<16xi32>,
    tpu.vector_store_idx %arg8[%get3A_97], %broadcast_in_dim3A_8 {add = true} : memref<8192xf32, #tpu.memory_space<vmem>>[vector<16xi32>], vector<16xf32>,
    %get3A_98 = arith.constant 80 : index
    %get3A_99 = tpu.vector_load %arg6[%get3A_98] {strides = array<i32>} : memref<128xi32, #tpu.memory_space<vmem>>, vector<16xi32>,
    tpu.vector_store_idx %arg8[%get3A_99], %broadcast_in_dim3A_8 {add = true} : memref<8192xf32, #tpu.memory_space<vmem>>[vector<16xi32>], vector<16xf32>,
    %get3A_100 = arith.constant 96 : index
    %get3A_101 = tpu.vector_load %arg6[%get3A_100] {strides = array<i32>} : memref<128xi32, #tpu.memory_space<vmem>>, vector<16xi32>,
    tpu.vector_store_idx %arg8[%get3A_101], %broadcast_in_dim3A_8 {add = true} : memref<8192xf32, #tpu.memory_space<vmem>>[vector<16xi32>], vector<16xf32>,
    %get3A_102 = arith.constant 112 : index
    %get3A_103 = tpu.vector_load %arg6[%get3A_102] {strides = array<i32>} : memref<128xi32, #tpu.memory_space<vmem>>, vector<16xi32>,
    tpu.vector_store_idx %arg8[%get3A_103], %broadcast_in_dim3A_8 {add = true} : memref<8192xf32, #tpu.memory_space<vmem>>[vector<16xi32>], vector<16xf32>,
    %add3A_104 = arith.constant 512 : i32
    %add3A_105 = arith.addi %mul3A_10, %add3A_104 : i32
    "tpu.region"() ({
      %run_scoped3A = tpu.sem_alloc : memref<!tpu.dma_semaphore, #tpu.memory_space<semaphore_mem>>
      %dma_start3A_200 = tpu.memref_slice %arg3[%add3A_105] : memref<32768xi32, #tpu.memory_space<hbm>> -> memref<128xi32, #tpu.memory_space<hbm>>
      %dma_start3A_201 = tpu.memref_slice %arg3[%add3A_105] : memref<32768xi32, #tpu.memory_space<hbm>> -> memref<128xi32, #tpu.memory_space<hbm>>
      tpu.enqueue_dma source(%dma_start3A_201 : memref<128xi32, #tpu.memory_space<hbm>>) target(%arg6 : memref<128xi32, #tpu.memory_space<vmem>>) target_semaphore(%run_scoped3A : memref<!tpu.dma_semaphore, #tpu.memory_space<semaphore_mem>>)
      %dma_wait3A_202 = tpu.memref_slice %arg3[%add3A_105] : memref<32768xi32, #tpu.memory_space<hbm>> -> memref<128xi32, #tpu.memory_space<hbm>>
      %dma_wait3A_203 = tpu.memref_slice %arg3[%add3A_105] : memref<32768xi32, #tpu.memory_space<hbm>> -> memref<128xi32, #tpu.memory_space<hbm>>
      tpu.wait_dma2 semaphore(%run_scoped3A : memref<!tpu.dma_semaphore, #tpu.memory_space<semaphore_mem>>) src(%dma_wait3A_203 : memref<128xi32, #tpu.memory_space<hbm>>) dst(%arg6 : memref<128xi32, #tpu.memory_space<vmem>>)
      tpu.yield
    }) : () -> ()
    %dma_start3A_106 = arith.constant 0 : i32
    %dma_start3A_107 = arith.constant 0 : i32
    %dma_start3A_108 = tpu.memref_slice %arg2[%dma_start3A_106, %dma_start3A_107] : memref<8192x256xf32, #tpu.memory_space<hbm>> -> memref<8192x256xf32, #tpu.memory_space<hbm>>
    tpu.enqueue_indirect_dma source(%dma_start3A_108 : memref<8192x256xf32, #tpu.memory_space<hbm>>) target(%arg7 : memref<128x256xf32, #tpu.memory_space<vmem>>) offsets(%arg6 : memref<128xi32, #tpu.memory_space<vmem>>) semaphore(%arg9 : memref<!tpu.dma_semaphore, #tpu.memory_space<semaphore_mem>>)
    %dma_wait3A_109 = arith.constant 0 : i32
    %dma_wait3A_110 = arith.constant 0 : i32
    %dma_wait3A_111 = tpu.memref_slice %arg2[%dma_wait3A_109, %dma_wait3A_110] : memref<8192x256xf32, #tpu.memory_space<hbm>> -> memref<8192x256xf32, #tpu.memory_space<hbm>>
    tpu.wait_indirect_dma semaphore(%arg9 : memref<!tpu.dma_semaphore, #tpu.memory_space<semaphore_mem>>) src(%dma_wait3A_111 : memref<8192x256xf32, #tpu.memory_space<hbm>>) dst(%arg7 : memref<128x256xf32, #tpu.memory_space<vmem>>)
    "tpu.region"() ({
      %run_scoped3A = tpu.sem_alloc : memref<!tpu.dma_semaphore, #tpu.memory_space<semaphore_mem>>
      %dma_start3A_200 = arith.constant 0 : i32
      %dma_start3A_201 = tpu.memref_slice %arg4[%add3A_105, %dma_start3A_200] : memref<32768x256xf32, #tpu.memory_space<hbm>> -> memref<128x256xf32, #tpu.memory_space<hbm>>
      %dma_start3A_202 = arith.constant 0 : i32
      %dma_start3A_203 = tpu.memref_slice %arg4[%add3A_105, %dma_start3A_202] : memref<32768x256xf32, #tpu.memory_space<hbm>> -> memref<128x256xf32, #tpu.memory_space<hbm>>
      tpu.enqueue_dma source(%arg7 : memref<128x256xf32, #tpu.memory_space<vmem>>) target(%dma_start3A_203 : memref<128x256xf32, #tpu.memory_space<hbm>>) target_semaphore(%run_scoped3A : memref<!tpu.dma_semaphore, #tpu.memory_space<semaphore_mem>>)
      %dma_wait3A_204 = arith.constant 0 : i32
      %dma_wait3A_205 = tpu.memref_slice %arg4[%add3A_105, %dma_wait3A_204] : memref<32768x256xf32, #tpu.memory_space<hbm>> -> memref<128x256xf32, #tpu.memory_space<hbm>>
      %dma_wait3A_206 = arith.constant 0 : i32
      %dma_wait3A_207 = tpu.memref_slice %arg4[%add3A_105, %dma_wait3A_206] : memref<32768x256xf32, #tpu.memory_space<hbm>> -> memref<128x256xf32, #tpu.memory_space<hbm>>
      tpu.wait_dma2 semaphore(%run_scoped3A : memref<!tpu.dma_semaphore, #tpu.memory_space<semaphore_mem>>) src(%arg7 : memref<128x256xf32, #tpu.memory_space<vmem>>) dst(%dma_wait3A_207 : memref<128x256xf32, #tpu.memory_space<hbm>>)
      tpu.yield
    }) : () -> ()
    %get3A_112 = arith.constant 0 : index
    %get3A_113 = tpu.vector_load %arg6[%get3A_112] {strides = array<i32>} : memref<128xi32, #tpu.memory_space<vmem>>, vector<16xi32>,
    tpu.vector_store_idx %arg8[%get3A_113], %broadcast_in_dim3A_8 {add = true} : memref<8192xf32, #tpu.memory_space<vmem>>[vector<16xi32>], vector<16xf32>,
    %get3A_114 = arith.constant 16 : index
    %get3A_115 = tpu.vector_load %arg6[%get3A_114] {strides = array<i32>} : memref<128xi32, #tpu.memory_space<vmem>>, vector<16xi32>,
    tpu.vector_store_idx %arg8[%get3A_115], %broadcast_in_dim3A_8 {add = true} : memref<8192xf32, #tpu.memory_space<vmem>>[vector<16xi32>], vector<16xf32>,
    %get3A_116 = arith.constant 32 : index
    %get3A_117 = tpu.vector_load %arg6[%get3A_116] {strides = array<i32>} : memref<128xi32, #tpu.memory_space<vmem>>, vector<16xi32>,
    tpu.vector_store_idx %arg8[%get3A_117], %broadcast_in_dim3A_8 {add = true} : memref<8192xf32, #tpu.memory_space<vmem>>[vector<16xi32>], vector<16xf32>,
    %get3A_118 = arith.constant 48 : index
    %get3A_119 = tpu.vector_load %arg6[%get3A_118] {strides = array<i32>} : memref<128xi32, #tpu.memory_space<vmem>>, vector<16xi32>,
    tpu.vector_store_idx %arg8[%get3A_119], %broadcast_in_dim3A_8 {add = true} : memref<8192xf32, #tpu.memory_space<vmem>>[vector<16xi32>], vector<16xf32>,
    %get3A_120 = arith.constant 64 : index
    %get3A_121 = tpu.vector_load %arg6[%get3A_120] {strides = array<i32>} : memref<128xi32, #tpu.memory_space<vmem>>, vector<16xi32>,
    tpu.vector_store_idx %arg8[%get3A_121], %broadcast_in_dim3A_8 {add = true} : memref<8192xf32, #tpu.memory_space<vmem>>[vector<16xi32>], vector<16xf32>,
    %get3A_122 = arith.constant 80 : index
    %get3A_123 = tpu.vector_load %arg6[%get3A_122] {strides = array<i32>} : memref<128xi32, #tpu.memory_space<vmem>>, vector<16xi32>,
    tpu.vector_store_idx %arg8[%get3A_123], %broadcast_in_dim3A_8 {add = true} : memref<8192xf32, #tpu.memory_space<vmem>>[vector<16xi32>], vector<16xf32>,
    %get3A_124 = arith.constant 96 : index
    %get3A_125 = tpu.vector_load %arg6[%get3A_124] {strides = array<i32>} : memref<128xi32, #tpu.memory_space<vmem>>, vector<16xi32>,
    tpu.vector_store_idx %arg8[%get3A_125], %broadcast_in_dim3A_8 {add = true} : memref<8192xf32, #tpu.memory_space<vmem>>[vector<16xi32>], vector<16xf32>,
    %get3A_126 = arith.constant 112 : index
    %get3A_127 = tpu.vector_load %arg6[%get3A_126] {strides = array<i32>} : memref<128xi32, #tpu.memory_space<vmem>>, vector<16xi32>,
    tpu.vector_store_idx %arg8[%get3A_127], %broadcast_in_dim3A_8 {add = true} : memref<8192xf32, #tpu.memory_space<vmem>>[vector<16xi32>], vector<16xf32>,
    %add3A_128 = arith.constant 640 : i32
    %add3A_129 = arith.addi %mul3A_10, %add3A_128 : i32
    "tpu.region"() ({
      %run_scoped3A = tpu.sem_alloc : memref<!tpu.dma_semaphore, #tpu.memory_space<semaphore_mem>>
      %dma_start3A_200 = tpu.memref_slice %arg3[%add3A_129] : memref<32768xi32, #tpu.memory_space<hbm>> -> memref<128xi32, #tpu.memory_space<hbm>>
      %dma_start3A_201 = tpu.memref_slice %arg3[%add3A_129] : memref<32768xi32, #tpu.memory_space<hbm>> -> memref<128xi32, #tpu.memory_space<hbm>>
      tpu.enqueue_dma source(%dma_start3A_201 : memref<128xi32, #tpu.memory_space<hbm>>) target(%arg6 : memref<128xi32, #tpu.memory_space<vmem>>) target_semaphore(%run_scoped3A : memref<!tpu.dma_semaphore, #tpu.memory_space<semaphore_mem>>)
      %dma_wait3A_202 = tpu.memref_slice %arg3[%add3A_129] : memref<32768xi32, #tpu.memory_space<hbm>> -> memref<128xi32, #tpu.memory_space<hbm>>
      %dma_wait3A_203 = tpu.memref_slice %arg3[%add3A_129] : memref<32768xi32, #tpu.memory_space<hbm>> -> memref<128xi32, #tpu.memory_space<hbm>>
      tpu.wait_dma2 semaphore(%run_scoped3A : memref<!tpu.dma_semaphore, #tpu.memory_space<semaphore_mem>>) src(%dma_wait3A_203 : memref<128xi32, #tpu.memory_space<hbm>>) dst(%arg6 : memref<128xi32, #tpu.memory_space<vmem>>)
      tpu.yield
    }) : () -> ()
    %dma_start3A_130 = arith.constant 0 : i32
    %dma_start3A_131 = arith.constant 0 : i32
    %dma_start3A_132 = tpu.memref_slice %arg2[%dma_start3A_130, %dma_start3A_131] : memref<8192x256xf32, #tpu.memory_space<hbm>> -> memref<8192x256xf32, #tpu.memory_space<hbm>>
    tpu.enqueue_indirect_dma source(%dma_start3A_132 : memref<8192x256xf32, #tpu.memory_space<hbm>>) target(%arg7 : memref<128x256xf32, #tpu.memory_space<vmem>>) offsets(%arg6 : memref<128xi32, #tpu.memory_space<vmem>>) semaphore(%arg9 : memref<!tpu.dma_semaphore, #tpu.memory_space<semaphore_mem>>)
    %dma_wait3A_133 = arith.constant 0 : i32
    %dma_wait3A_134 = arith.constant 0 : i32
    %dma_wait3A_135 = tpu.memref_slice %arg2[%dma_wait3A_133, %dma_wait3A_134] : memref<8192x256xf32, #tpu.memory_space<hbm>> -> memref<8192x256xf32, #tpu.memory_space<hbm>>
    tpu.wait_indirect_dma semaphore(%arg9 : memref<!tpu.dma_semaphore, #tpu.memory_space<semaphore_mem>>) src(%dma_wait3A_135 : memref<8192x256xf32, #tpu.memory_space<hbm>>) dst(%arg7 : memref<128x256xf32, #tpu.memory_space<vmem>>)
    "tpu.region"() ({
      %run_scoped3A = tpu.sem_alloc : memref<!tpu.dma_semaphore, #tpu.memory_space<semaphore_mem>>
      %dma_start3A_200 = arith.constant 0 : i32
      %dma_start3A_201 = tpu.memref_slice %arg4[%add3A_129, %dma_start3A_200] : memref<32768x256xf32, #tpu.memory_space<hbm>> -> memref<128x256xf32, #tpu.memory_space<hbm>>
      %dma_start3A_202 = arith.constant 0 : i32
      %dma_start3A_203 = tpu.memref_slice %arg4[%add3A_129, %dma_start3A_202] : memref<32768x256xf32, #tpu.memory_space<hbm>> -> memref<128x256xf32, #tpu.memory_space<hbm>>
      tpu.enqueue_dma source(%arg7 : memref<128x256xf32, #tpu.memory_space<vmem>>) target(%dma_start3A_203 : memref<128x256xf32, #tpu.memory_space<hbm>>) target_semaphore(%run_scoped3A : memref<!tpu.dma_semaphore, #tpu.memory_space<semaphore_mem>>)
      %dma_wait3A_204 = arith.constant 0 : i32
      %dma_wait3A_205 = tpu.memref_slice %arg4[%add3A_129, %dma_wait3A_204] : memref<32768x256xf32, #tpu.memory_space<hbm>> -> memref<128x256xf32, #tpu.memory_space<hbm>>
      %dma_wait3A_206 = arith.constant 0 : i32
      %dma_wait3A_207 = tpu.memref_slice %arg4[%add3A_129, %dma_wait3A_206] : memref<32768x256xf32, #tpu.memory_space<hbm>> -> memref<128x256xf32, #tpu.memory_space<hbm>>
      tpu.wait_dma2 semaphore(%run_scoped3A : memref<!tpu.dma_semaphore, #tpu.memory_space<semaphore_mem>>) src(%arg7 : memref<128x256xf32, #tpu.memory_space<vmem>>) dst(%dma_wait3A_207 : memref<128x256xf32, #tpu.memory_space<hbm>>)
      tpu.yield
    }) : () -> ()
    %get3A_136 = arith.constant 0 : index
    %get3A_137 = tpu.vector_load %arg6[%get3A_136] {strides = array<i32>} : memref<128xi32, #tpu.memory_space<vmem>>, vector<16xi32>,
    tpu.vector_store_idx %arg8[%get3A_137], %broadcast_in_dim3A_8 {add = true} : memref<8192xf32, #tpu.memory_space<vmem>>[vector<16xi32>], vector<16xf32>,
    %get3A_138 = arith.constant 16 : index
    %get3A_139 = tpu.vector_load %arg6[%get3A_138] {strides = array<i32>} : memref<128xi32, #tpu.memory_space<vmem>>, vector<16xi32>,
    tpu.vector_store_idx %arg8[%get3A_139], %broadcast_in_dim3A_8 {add = true} : memref<8192xf32, #tpu.memory_space<vmem>>[vector<16xi32>], vector<16xf32>,
    %get3A_140 = arith.constant 32 : index
    %get3A_141 = tpu.vector_load %arg6[%get3A_140] {strides = array<i32>} : memref<128xi32, #tpu.memory_space<vmem>>, vector<16xi32>,
    tpu.vector_store_idx %arg8[%get3A_141], %broadcast_in_dim3A_8 {add = true} : memref<8192xf32, #tpu.memory_space<vmem>>[vector<16xi32>], vector<16xf32>,
    %get3A_142 = arith.constant 48 : index
    %get3A_143 = tpu.vector_load %arg6[%get3A_142] {strides = array<i32>} : memref<128xi32, #tpu.memory_space<vmem>>, vector<16xi32>,
    tpu.vector_store_idx %arg8[%get3A_143], %broadcast_in_dim3A_8 {add = true} : memref<8192xf32, #tpu.memory_space<vmem>>[vector<16xi32>], vector<16xf32>,
    %get3A_144 = arith.constant 64 : index
    %get3A_145 = tpu.vector_load %arg6[%get3A_144] {strides = array<i32>} : memref<128xi32, #tpu.memory_space<vmem>>, vector<16xi32>,
    tpu.vector_store_idx %arg8[%get3A_145], %broadcast_in_dim3A_8 {add = true} : memref<8192xf32, #tpu.memory_space<vmem>>[vector<16xi32>], vector<16xf32>,
    %get3A_146 = arith.constant 80 : index
    %get3A_147 = tpu.vector_load %arg6[%get3A_146] {strides = array<i32>} : memref<128xi32, #tpu.memory_space<vmem>>, vector<16xi32>,
    tpu.vector_store_idx %arg8[%get3A_147], %broadcast_in_dim3A_8 {add = true} : memref<8192xf32, #tpu.memory_space<vmem>>[vector<16xi32>], vector<16xf32>,
    %get3A_148 = arith.constant 96 : index
    %get3A_149 = tpu.vector_load %arg6[%get3A_148] {strides = array<i32>} : memref<128xi32, #tpu.memory_space<vmem>>, vector<16xi32>,
    tpu.vector_store_idx %arg8[%get3A_149], %broadcast_in_dim3A_8 {add = true} : memref<8192xf32, #tpu.memory_space<vmem>>[vector<16xi32>], vector<16xf32>,
    %get3A_150 = arith.constant 112 : index
    %get3A_151 = tpu.vector_load %arg6[%get3A_150] {strides = array<i32>} : memref<128xi32, #tpu.memory_space<vmem>>, vector<16xi32>,
    tpu.vector_store_idx %arg8[%get3A_151], %broadcast_in_dim3A_8 {add = true} : memref<8192xf32, #tpu.memory_space<vmem>>[vector<16xi32>], vector<16xf32>,
    %add3A_152 = arith.constant 768 : i32
    %add3A_153 = arith.addi %mul3A_10, %add3A_152 : i32
    "tpu.region"() ({
      %run_scoped3A = tpu.sem_alloc : memref<!tpu.dma_semaphore, #tpu.memory_space<semaphore_mem>>
      %dma_start3A_200 = tpu.memref_slice %arg3[%add3A_153] : memref<32768xi32, #tpu.memory_space<hbm>> -> memref<128xi32, #tpu.memory_space<hbm>>
      %dma_start3A_201 = tpu.memref_slice %arg3[%add3A_153] : memref<32768xi32, #tpu.memory_space<hbm>> -> memref<128xi32, #tpu.memory_space<hbm>>
      tpu.enqueue_dma source(%dma_start3A_201 : memref<128xi32, #tpu.memory_space<hbm>>) target(%arg6 : memref<128xi32, #tpu.memory_space<vmem>>) target_semaphore(%run_scoped3A : memref<!tpu.dma_semaphore, #tpu.memory_space<semaphore_mem>>)
      %dma_wait3A_202 = tpu.memref_slice %arg3[%add3A_153] : memref<32768xi32, #tpu.memory_space<hbm>> -> memref<128xi32, #tpu.memory_space<hbm>>
      %dma_wait3A_203 = tpu.memref_slice %arg3[%add3A_153] : memref<32768xi32, #tpu.memory_space<hbm>> -> memref<128xi32, #tpu.memory_space<hbm>>
      tpu.wait_dma2 semaphore(%run_scoped3A : memref<!tpu.dma_semaphore, #tpu.memory_space<semaphore_mem>>) src(%dma_wait3A_203 : memref<128xi32, #tpu.memory_space<hbm>>) dst(%arg6 : memref<128xi32, #tpu.memory_space<vmem>>)
      tpu.yield
    }) : () -> ()
    %dma_start3A_154 = arith.constant 0 : i32
    %dma_start3A_155 = arith.constant 0 : i32
    %dma_start3A_156 = tpu.memref_slice %arg2[%dma_start3A_154, %dma_start3A_155] : memref<8192x256xf32, #tpu.memory_space<hbm>> -> memref<8192x256xf32, #tpu.memory_space<hbm>>
    tpu.enqueue_indirect_dma source(%dma_start3A_156 : memref<8192x256xf32, #tpu.memory_space<hbm>>) target(%arg7 : memref<128x256xf32, #tpu.memory_space<vmem>>) offsets(%arg6 : memref<128xi32, #tpu.memory_space<vmem>>) semaphore(%arg9 : memref<!tpu.dma_semaphore, #tpu.memory_space<semaphore_mem>>)
    %dma_wait3A_157 = arith.constant 0 : i32
    %dma_wait3A_158 = arith.constant 0 : i32
    %dma_wait3A_159 = tpu.memref_slice %arg2[%dma_wait3A_157, %dma_wait3A_158] : memref<8192x256xf32, #tpu.memory_space<hbm>> -> memref<8192x256xf32, #tpu.memory_space<hbm>>
    tpu.wait_indirect_dma semaphore(%arg9 : memref<!tpu.dma_semaphore, #tpu.memory_space<semaphore_mem>>) src(%dma_wait3A_159 : memref<8192x256xf32, #tpu.memory_space<hbm>>) dst(%arg7 : memref<128x256xf32, #tpu.memory_space<vmem>>)
    "tpu.region"() ({
      %run_scoped3A = tpu.sem_alloc : memref<!tpu.dma_semaphore, #tpu.memory_space<semaphore_mem>>
      %dma_start3A_200 = arith.constant 0 : i32
      %dma_start3A_201 = tpu.memref_slice %arg4[%add3A_153, %dma_start3A_200] : memref<32768x256xf32, #tpu.memory_space<hbm>> -> memref<128x256xf32, #tpu.memory_space<hbm>>
      %dma_start3A_202 = arith.constant 0 : i32
      %dma_start3A_203 = tpu.memref_slice %arg4[%add3A_153, %dma_start3A_202] : memref<32768x256xf32, #tpu.memory_space<hbm>> -> memref<128x256xf32, #tpu.memory_space<hbm>>
      tpu.enqueue_dma source(%arg7 : memref<128x256xf32, #tpu.memory_space<vmem>>) target(%dma_start3A_203 : memref<128x256xf32, #tpu.memory_space<hbm>>) target_semaphore(%run_scoped3A : memref<!tpu.dma_semaphore, #tpu.memory_space<semaphore_mem>>)
      %dma_wait3A_204 = arith.constant 0 : i32
      %dma_wait3A_205 = tpu.memref_slice %arg4[%add3A_153, %dma_wait3A_204] : memref<32768x256xf32, #tpu.memory_space<hbm>> -> memref<128x256xf32, #tpu.memory_space<hbm>>
      %dma_wait3A_206 = arith.constant 0 : i32
      %dma_wait3A_207 = tpu.memref_slice %arg4[%add3A_153, %dma_wait3A_206] : memref<32768x256xf32, #tpu.memory_space<hbm>> -> memref<128x256xf32, #tpu.memory_space<hbm>>
      tpu.wait_dma2 semaphore(%run_scoped3A : memref<!tpu.dma_semaphore, #tpu.memory_space<semaphore_mem>>) src(%arg7 : memref<128x256xf32, #tpu.memory_space<vmem>>) dst(%dma_wait3A_207 : memref<128x256xf32, #tpu.memory_space<hbm>>)
      tpu.yield
    }) : () -> ()
    %get3A_160 = arith.constant 0 : index
    %get3A_161 = tpu.vector_load %arg6[%get3A_160] {strides = array<i32>} : memref<128xi32, #tpu.memory_space<vmem>>, vector<16xi32>,
    tpu.vector_store_idx %arg8[%get3A_161], %broadcast_in_dim3A_8 {add = true} : memref<8192xf32, #tpu.memory_space<vmem>>[vector<16xi32>], vector<16xf32>,
    %get3A_162 = arith.constant 16 : index
    %get3A_163 = tpu.vector_load %arg6[%get3A_162] {strides = array<i32>} : memref<128xi32, #tpu.memory_space<vmem>>, vector<16xi32>,
    tpu.vector_store_idx %arg8[%get3A_163], %broadcast_in_dim3A_8 {add = true} : memref<8192xf32, #tpu.memory_space<vmem>>[vector<16xi32>], vector<16xf32>,
    %get3A_164 = arith.constant 32 : index
    %get3A_165 = tpu.vector_load %arg6[%get3A_164] {strides = array<i32>} : memref<128xi32, #tpu.memory_space<vmem>>, vector<16xi32>,
    tpu.vector_store_idx %arg8[%get3A_165], %broadcast_in_dim3A_8 {add = true} : memref<8192xf32, #tpu.memory_space<vmem>>[vector<16xi32>], vector<16xf32>,
    %get3A_166 = arith.constant 48 : index
    %get3A_167 = tpu.vector_load %arg6[%get3A_166] {strides = array<i32>} : memref<128xi32, #tpu.memory_space<vmem>>, vector<16xi32>,
    tpu.vector_store_idx %arg8[%get3A_167], %broadcast_in_dim3A_8 {add = true} : memref<8192xf32, #tpu.memory_space<vmem>>[vector<16xi32>], vector<16xf32>,
    %get3A_168 = arith.constant 64 : index
    %get3A_169 = tpu.vector_load %arg6[%get3A_168] {strides = array<i32>} : memref<128xi32, #tpu.memory_space<vmem>>, vector<16xi32>,
    tpu.vector_store_idx %arg8[%get3A_169], %broadcast_in_dim3A_8 {add = true} : memref<8192xf32, #tpu.memory_space<vmem>>[vector<16xi32>], vector<16xf32>,
    %get3A_170 = arith.constant 80 : index
    %get3A_171 = tpu.vector_load %arg6[%get3A_170] {strides = array<i32>} : memref<128xi32, #tpu.memory_space<vmem>>, vector<16xi32>,
    tpu.vector_store_idx %arg8[%get3A_171], %broadcast_in_dim3A_8 {add = true} : memref<8192xf32, #tpu.memory_space<vmem>>[vector<16xi32>], vector<16xf32>,
    %get3A_172 = arith.constant 96 : index
    %get3A_173 = tpu.vector_load %arg6[%get3A_172] {strides = array<i32>} : memref<128xi32, #tpu.memory_space<vmem>>, vector<16xi32>,
    tpu.vector_store_idx %arg8[%get3A_173], %broadcast_in_dim3A_8 {add = true} : memref<8192xf32, #tpu.memory_space<vmem>>[vector<16xi32>], vector<16xf32>,
    %get3A_174 = arith.constant 112 : index
    %get3A_175 = tpu.vector_load %arg6[%get3A_174] {strides = array<i32>} : memref<128xi32, #tpu.memory_space<vmem>>, vector<16xi32>,
    tpu.vector_store_idx %arg8[%get3A_175], %broadcast_in_dim3A_8 {add = true} : memref<8192xf32, #tpu.memory_space<vmem>>[vector<16xi32>], vector<16xf32>,
    %add3A_176 = arith.constant 896 : i32
    %add3A_177 = arith.addi %mul3A_10, %add3A_176 : i32
    "tpu.region"() ({
      %run_scoped3A = tpu.sem_alloc : memref<!tpu.dma_semaphore, #tpu.memory_space<semaphore_mem>>
      %dma_start3A_200 = tpu.memref_slice %arg3[%add3A_177] : memref<32768xi32, #tpu.memory_space<hbm>> -> memref<128xi32, #tpu.memory_space<hbm>>
      %dma_start3A_201 = tpu.memref_slice %arg3[%add3A_177] : memref<32768xi32, #tpu.memory_space<hbm>> -> memref<128xi32, #tpu.memory_space<hbm>>
      tpu.enqueue_dma source(%dma_start3A_201 : memref<128xi32, #tpu.memory_space<hbm>>) target(%arg6 : memref<128xi32, #tpu.memory_space<vmem>>) target_semaphore(%run_scoped3A : memref<!tpu.dma_semaphore, #tpu.memory_space<semaphore_mem>>)
      %dma_wait3A_202 = tpu.memref_slice %arg3[%add3A_177] : memref<32768xi32, #tpu.memory_space<hbm>> -> memref<128xi32, #tpu.memory_space<hbm>>
      %dma_wait3A_203 = tpu.memref_slice %arg3[%add3A_177] : memref<32768xi32, #tpu.memory_space<hbm>> -> memref<128xi32, #tpu.memory_space<hbm>>
      tpu.wait_dma2 semaphore(%run_scoped3A : memref<!tpu.dma_semaphore, #tpu.memory_space<semaphore_mem>>) src(%dma_wait3A_203 : memref<128xi32, #tpu.memory_space<hbm>>) dst(%arg6 : memref<128xi32, #tpu.memory_space<vmem>>)
      tpu.yield
    }) : () -> ()
    %dma_start3A_178 = arith.constant 0 : i32
    %dma_start3A_179 = arith.constant 0 : i32
    %dma_start3A_180 = tpu.memref_slice %arg2[%dma_start3A_178, %dma_start3A_179] : memref<8192x256xf32, #tpu.memory_space<hbm>> -> memref<8192x256xf32, #tpu.memory_space<hbm>>
    tpu.enqueue_indirect_dma source(%dma_start3A_180 : memref<8192x256xf32, #tpu.memory_space<hbm>>) target(%arg7 : memref<128x256xf32, #tpu.memory_space<vmem>>) offsets(%arg6 : memref<128xi32, #tpu.memory_space<vmem>>) semaphore(%arg9 : memref<!tpu.dma_semaphore, #tpu.memory_space<semaphore_mem>>)
    %dma_wait3A_181 = arith.constant 0 : i32
    %dma_wait3A_182 = arith.constant 0 : i32
    %dma_wait3A_183 = tpu.memref_slice %arg2[%dma_wait3A_181, %dma_wait3A_182] : memref<8192x256xf32, #tpu.memory_space<hbm>> -> memref<8192x256xf32, #tpu.memory_space<hbm>>
    tpu.wait_indirect_dma semaphore(%arg9 : memref<!tpu.dma_semaphore, #tpu.memory_space<semaphore_mem>>) src(%dma_wait3A_183 : memref<8192x256xf32, #tpu.memory_space<hbm>>) dst(%arg7 : memref<128x256xf32, #tpu.memory_space<vmem>>)
    "tpu.region"() ({
      %run_scoped3A = tpu.sem_alloc : memref<!tpu.dma_semaphore, #tpu.memory_space<semaphore_mem>>
      %dma_start3A_200 = arith.constant 0 : i32
      %dma_start3A_201 = tpu.memref_slice %arg4[%add3A_177, %dma_start3A_200] : memref<32768x256xf32, #tpu.memory_space<hbm>> -> memref<128x256xf32, #tpu.memory_space<hbm>>
      %dma_start3A_202 = arith.constant 0 : i32
      %dma_start3A_203 = tpu.memref_slice %arg4[%add3A_177, %dma_start3A_202] : memref<32768x256xf32, #tpu.memory_space<hbm>> -> memref<128x256xf32, #tpu.memory_space<hbm>>
      tpu.enqueue_dma source(%arg7 : memref<128x256xf32, #tpu.memory_space<vmem>>) target(%dma_start3A_203 : memref<128x256xf32, #tpu.memory_space<hbm>>) target_semaphore(%run_scoped3A : memref<!tpu.dma_semaphore, #tpu.memory_space<semaphore_mem>>)
      %dma_wait3A_204 = arith.constant 0 : i32
      %dma_wait3A_205 = tpu.memref_slice %arg4[%add3A_177, %dma_wait3A_204] : memref<32768x256xf32, #tpu.memory_space<hbm>> -> memref<128x256xf32, #tpu.memory_space<hbm>>
      %dma_wait3A_206 = arith.constant 0 : i32
      %dma_wait3A_207 = tpu.memref_slice %arg4[%add3A_177, %dma_wait3A_206] : memref<32768x256xf32, #tpu.memory_space<hbm>> -> memref<128x256xf32, #tpu.memory_space<hbm>>
      tpu.wait_dma2 semaphore(%run_scoped3A : memref<!tpu.dma_semaphore, #tpu.memory_space<semaphore_mem>>) src(%arg7 : memref<128x256xf32, #tpu.memory_space<vmem>>) dst(%dma_wait3A_207 : memref<128x256xf32, #tpu.memory_space<hbm>>)
      tpu.yield
    }) : () -> ()
    %get3A_184 = arith.constant 0 : index
    %get3A_185 = tpu.vector_load %arg6[%get3A_184] {strides = array<i32>} : memref<128xi32, #tpu.memory_space<vmem>>, vector<16xi32>,
    tpu.vector_store_idx %arg8[%get3A_185], %broadcast_in_dim3A_8 {add = true} : memref<8192xf32, #tpu.memory_space<vmem>>[vector<16xi32>], vector<16xf32>,
    %get3A_186 = arith.constant 16 : index
    %get3A_187 = tpu.vector_load %arg6[%get3A_186] {strides = array<i32>} : memref<128xi32, #tpu.memory_space<vmem>>, vector<16xi32>,
    tpu.vector_store_idx %arg8[%get3A_187], %broadcast_in_dim3A_8 {add = true} : memref<8192xf32, #tpu.memory_space<vmem>>[vector<16xi32>], vector<16xf32>,
    %get3A_188 = arith.constant 32 : index
    %get3A_189 = tpu.vector_load %arg6[%get3A_188] {strides = array<i32>} : memref<128xi32, #tpu.memory_space<vmem>>, vector<16xi32>,
    tpu.vector_store_idx %arg8[%get3A_189], %broadcast_in_dim3A_8 {add = true} : memref<8192xf32, #tpu.memory_space<vmem>>[vector<16xi32>], vector<16xf32>,
    %get3A_190 = arith.constant 48 : index
    %get3A_191 = tpu.vector_load %arg6[%get3A_190] {strides = array<i32>} : memref<128xi32, #tpu.memory_space<vmem>>, vector<16xi32>,
    tpu.vector_store_idx %arg8[%get3A_191], %broadcast_in_dim3A_8 {add = true} : memref<8192xf32, #tpu.memory_space<vmem>>[vector<16xi32>], vector<16xf32>,
    %get3A_192 = arith.constant 64 : index
    %get3A_193 = tpu.vector_load %arg6[%get3A_192] {strides = array<i32>} : memref<128xi32, #tpu.memory_space<vmem>>, vector<16xi32>,
    tpu.vector_store_idx %arg8[%get3A_193], %broadcast_in_dim3A_8 {add = true} : memref<8192xf32, #tpu.memory_space<vmem>>[vector<16xi32>], vector<16xf32>,
    %get3A_194 = arith.constant 80 : index
    %get3A_195 = tpu.vector_load %arg6[%get3A_194] {strides = array<i32>} : memref<128xi32, #tpu.memory_space<vmem>>, vector<16xi32>,
    tpu.vector_store_idx %arg8[%get3A_195], %broadcast_in_dim3A_8 {add = true} : memref<8192xf32, #tpu.memory_space<vmem>>[vector<16xi32>], vector<16xf32>,
    %get3A_196 = arith.constant 96 : index
    %get3A_197 = tpu.vector_load %arg6[%get3A_196] {strides = array<i32>} : memref<128xi32, #tpu.memory_space<vmem>>, vector<16xi32>,
    tpu.vector_store_idx %arg8[%get3A_197], %broadcast_in_dim3A_8 {add = true} : memref<8192xf32, #tpu.memory_space<vmem>>[vector<16xi32>], vector<16xf32>,
    %get3A_198 = arith.constant 112 : index
    %get3A_199 = tpu.vector_load %arg6[%get3A_198] {strides = array<i32>} : memref<128xi32, #tpu.memory_space<vmem>>, vector<16xi32>,
    tpu.vector_store_idx %arg8[%get3A_199], %broadcast_in_dim3A_8 {add = true} : memref<8192xf32, #tpu.memory_space<vmem>>[vector<16xi32>], vector<16xf32>,
    "tpu.region"() ({
      %run_scoped3A = tpu.sem_alloc : memref<!tpu.dma_semaphore, #tpu.memory_space<semaphore_mem>>
      %dma_start3A_200 = arith.constant 0 : i32
      %dma_start3A_201 = tpu.memref_slice %arg5[%add3A, %dma_start3A_200] : memref<32x8192xf32, #tpu.memory_space<hbm>> -> memref<1x8192xf32, #tpu.memory_space<hbm>>
      %dma_start3A_202 = tpu.memref_squeeze %dma_start3A_201 : memref<1x8192xf32, #tpu.memory_space<hbm>> -> memref<8192xf32, #tpu.memory_space<hbm>>
      %dma_start3A_203 = arith.constant 0 : i32
      %dma_start3A_204 = tpu.memref_slice %arg5[%add3A, %dma_start3A_203] : memref<32x8192xf32, #tpu.memory_space<hbm>> -> memref<1x8192xf32, #tpu.memory_space<hbm>>
      %dma_start3A_205 = tpu.memref_squeeze %dma_start3A_204 : memref<1x8192xf32, #tpu.memory_space<hbm>> -> memref<8192xf32, #tpu.memory_space<hbm>>
      tpu.enqueue_dma source(%arg8 : memref<8192xf32, #tpu.memory_space<vmem>>) target(%dma_start3A_205 : memref<8192xf32, #tpu.memory_space<hbm>>) target_semaphore(%run_scoped3A : memref<!tpu.dma_semaphore, #tpu.memory_space<semaphore_mem>>)
      %dma_wait3A_206 = arith.constant 0 : i32
      %dma_wait3A_207 = tpu.memref_slice %arg5[%add3A, %dma_wait3A_206] : memref<32x8192xf32, #tpu.memory_space<hbm>> -> memref<1x8192xf32, #tpu.memory_space<hbm>>
      %dma_wait3A_208 = tpu.memref_squeeze %dma_wait3A_207 : memref<1x8192xf32, #tpu.memory_space<hbm>> -> memref<8192xf32, #tpu.memory_space<hbm>>
      %dma_wait3A_209 = arith.constant 0 : i32
      %dma_wait3A_210 = tpu.memref_slice %arg5[%add3A, %dma_wait3A_209] : memref<32x8192xf32, #tpu.memory_space<hbm>> -> memref<1x8192xf32, #tpu.memory_space<hbm>>
      %dma_wait3A_211 = tpu.memref_squeeze %dma_wait3A_210 : memref<1x8192xf32, #tpu.memory_space<hbm>> -> memref<8192xf32, #tpu.memory_space<hbm>>
      tpu.wait_dma2 semaphore(%run_scoped3A : memref<!tpu.dma_semaphore, #tpu.memory_space<semaphore_mem>>) src(%arg8 : memref<8192xf32, #tpu.memory_space<vmem>>) dst(%dma_wait3A_211 : memref<8192xf32, #tpu.memory_space<hbm>>)
      tpu.yield
    }) : () -> ()
    return
  }
}

</mosaic_0001>

<sc_bundles>
// kernel: kernel.3.cloned.1.call-start
scs
__scs_entry_jumppad:
0x0: {  	(pc) =	sbr.rel $0x88, $3  }
0x1: {  	(tag) =	ssettag $0x0;
	lr =	simm.s32 $0x1  }
0x2: {  	[smem:$0x3F9F] =	sst lr;
	_ =	strace $0xD0000000  }
0x3: {  	_ = 	snop  }
0x4: {  	_ = 	snop  }
0x5: {  	_ = 	snop  }
0x6: {  	_ = 	snop  }
0x7: {  	_ = 	snop  }
__scs_overlays_trampoline_lowered:
0x8: {  	[smem:$0x3FAE] =	sst s0  }
0x9: {  	[smem:$0x3FAF] =	sst s1  }
0xa: {  	[smem:$0x3FB0] =	sst s2  }
0xb: {  	[smem:$0x3FB1] =	sst s3  }
0xc: {  	[smem:$0x3FB2] =	sst s4  }
0xd: {  	[smem:$0x3FB3] =	sst s5  }
0xe: {  	[smem:$0x3FB4] =	sst s6  }
0xf: {  	[smem:$0x3FB5] =	sst s7  }
0x10: {  	[smem:$0x3FB6] =	sst s8  }
0x11: {  	[smem:$0x3FB7] =	sst s9;
	s0 =	simm.s32 @!p0 $0x0  }
0x12: {  	s1 =	sld [smem:$0x3F9D];
	s0 =	simm.s32 @p0 $0x1  }
0x13: {  	[smem:$0x3FB8] =	sst s0;
	s0 =	simm.s32 @!p1 $0x0  }
0x14: {  	s2 =	sld [smem:$0x3F9C];
	s0 =	simm.s32 @p1 $0x1  }
0x15: {  	[smem:$0x3FB9] =	sst s0;
	s0 =	simm.s32 @!p2 $0x0  }
0x16: {  	s3 =	sld [smem:$0x3FDB];
	s0 =	simm.s32 @p2 $0x1  }
0x17: {  	s4 =	simm.s32 $0x1BF5;
	[smem:$0x3FBB] =	sst s0  }
0x18: {  	s0 =	sld [smem:$0x3F9E];
	_ =	swait.ge [sflag:s4], $0x0  }
0x19: {  	s7 =	sld [smem:$0x3F9F]  }
0x1a: {  	s8 =	sadd.s32 $0xFFFFE003, lr  }
0x1b: {  	s9 =	sadd.s32 $0xFFFFFEF7, lr;
	s5 =	simm.s32 $0xFFFFFFFF;
	p2 =	slt.u32 s8, $0xFFFFF086  }
0x1c: {  	p1 =	slt.u32 s9, $0xF7A;
	s5 =	simm.s32 @!p2 $0x0  }
0x1d: {  	s5 =	simm.s32 @p1 $0x1;
	p0 =	seq.s32 s7, s2  }
0x1e: {  	s7 =	smul.u32 @!p0 $0xF7A, s2;
	p2 =	seq.s32 @!p0 s5, $0x0  }
0x1f: {  	s9 =	smul.u32 $0xF7A, s1;
	s8 =	simm.s32 @!p0 $0x1BF5;
	p2 =	por !p2, p0  }
0x20: {  	[sflag:s8] =	ssyncset.s32 @!p0 $0xFFFFF086;
	s6 =	sadd.s32 @!p0 s3, s7;
	s7 =	simm.s32 @!p0 $0x108  }
0x21: {  	s3 =	sadd.s32 s3, s9;
	s6 =	sadd.s32 @!p0 $0x88, s6;
	s7 =	simm.s32 @p2 $0x1082  }
0x22: {  	[simem:s7], [sflag:s8] =	dma.local @!p0 [hbm:s6], $0xF7A  }
0x23: {  	s9 =	sor.u32 $0xD0000000, s2;
	s6 =	simm.s32 $0x108;
	_ =	swait.ge @!p0 [sflag:s8], $0x0  }
0x24: {  	s3 =	sadd.s32 $0x88, s3;
	s6 =	simm.s32 @!p1 $0x1082;
	[sflag:s4] =	ssyncset.s32 $0xFFFFF086  }
0x25: {  	[simem:s6], [sflag:s4] =	dma.local [hbm:s3], $0xF7A  }
0x26: {  	[smem:$0x3F9F] =	sst s1;
	(tag) =	ssettag s2;
	_ =	strace s9  }
0x27: {  	s1 =	sld [smem:$0x3FAF]  }
0x28: {  	s2 =	sld [smem:$0x3FB0]  }
0x29: {  	s4 =	sld [smem:$0x3FB2]  }
0x2a: {  	p0 =	seq.s32 s5, $0x0;
	s5 =	sld [smem:$0x3FB3]  }
0x2b: {  	s6 =	sld [smem:$0x3FB4]  }
0x2c: {  	s7 =	sld [smem:$0x3FB5]  }
0x2d: {  	s3 =	simm.s32 $0x108;
	s8 =	sld [smem:$0x3FB6]  }
0x2e: {  	s3 =	simm.s32 @!p0 $0x1082;
	s9 =	sld [smem:$0x3FB7]  }
0x2f: {  	lr =	sadd.s32 s0, s3;
	s0 =	sld [smem:$0x3FAE]  }
0x30: {  	s3 =	sld [smem:$0x3FB1]  }
0x31: {  	[smem:$0x3FBA] =	sst s10  }
0x32: {  	s10 =	sld [smem:$0x3FB8];
	_ =	sdelay $0x3  }
0x33: {  	p0 =	seq.s32 s10, $0x1;
	s10 =	sld [smem:$0x3FBA];
	_ =	sdelay $0x3  }
0x34: {  	[smem:$0x3FBA] =	sst s10  }
0x35: {  	s10 =	sld [smem:$0x3FB9];
	_ =	sdelay $0x3  }
0x36: {  	p1 =	seq.s32 s10, $0x1;
	s10 =	sld [smem:$0x3FBA];
	_ =	sdelay $0x3  }
0x37: {  	[smem:$0x3FBA] =	sst s10  }
0x38: {  	s10 =	sld [smem:$0x3FBB]  }
0x39: {  	_ = 	snop;
	(pc) =	sbr.ind lr, $3  }
0x3a: {  	_ = 	snop  }
0x3b: {  	_ = 	snop  }
0x3c: {  	p2 =	seq.s32 s10, $0x1;
	s10 =	sld [smem:$0x3FBA]  }
0x3d: {  	_ =	shalt  }
0x3e: {  	_ =	shalt  }
0x3f: {  	_ =	shalt  }
0x40: {  	_ =	shalt  }
0x41: {  	_ =	shalt  }
0x42: {  	_ =	shalt  }
0x43: {  	_ =	shalt  }
0x44: {  	_ =	shalt  }
0x45: {  	_ =	shalt  }
0x46: {  	_ =	shalt  }
0x47: {  	_ =	shalt  }
0x48: {  	_ =	shalt  }
0x49: {  	_ =	shalt  }
0x4a: {  	_ =	shalt  }
0x4b: {  	_ =	shalt  }
0x4c: {  	_ =	shalt  }
0x4d: {  	_ =	shalt  }
0x4e: {  	_ =	shalt  }
0x4f: {  	_ =	shalt  }
0x50: {  	_ =	shalt  }
0x51: {  	_ =	shalt  }
0x52: {  	_ =	shalt  }
0x53: {  	_ =	shalt  }
0x54: {  	_ =	shalt  }
0x55: {  	_ =	shalt  }
0x56: {  	_ =	shalt  }
0x57: {  	_ =	shalt  }
0x58: {  	_ =	shalt  }
0x59: {  	_ =	shalt  }
0x5a: {  	_ =	shalt  }
0x5b: {  	_ =	shalt  }
0x5c: {  	_ =	shalt  }
0x5d: {  	_ =	shalt  }
0x5e: {  	_ =	shalt  }
0x5f: {  	_ =	shalt  }
0x60: {  	_ =	shalt  }
0x61: {  	_ =	shalt  }
0x62: {  	_ =	shalt  }
0x63: {  	_ =	shalt  }
0x64: {  	_ =	shalt  }
0x65: {  	_ =	shalt  }
0x66: {  	_ =	shalt  }
0x67: {  	_ =	shalt  }
0x68: {  	_ =	shalt  }
0x69: {  	_ =	shalt  }
0x6a: {  	_ =	shalt  }
0x6b: {  	_ =	shalt  }
0x6c: {  	_ =	shalt  }
0x6d: {  	_ =	shalt  }
0x6e: {  	_ =	shalt  }
0x6f: {  	_ =	shalt  }
0x70: {  	_ =	shalt  }
0x71: {  	_ =	shalt  }
0x72: {  	_ =	shalt  }
0x73: {  	_ =	shalt  }
0x74: {  	_ =	shalt  }
0x75: {  	_ =	shalt  }
0x76: {  	_ =	shalt  }
0x77: {  	_ =	shalt  }
0x78: {  	_ =	shalt  }
0x79: {  	_ =	shalt  }
0x7a: {  	_ =	shalt  }
0x7b: {  	_ =	shalt  }
0x7c: {  	_ =	shalt  }
0x7d: {  	_ =	shalt  }
0x7e: {  	_ =	shalt  }
0x7f: {  	_ =	shalt  }
0x80: {  	_ =	shalt  }
0x81: {  	_ =	shalt  }
0x82: {  	_ =	shalt  }
0x83: {  	_ =	shalt  }
0x84: {  	_ =	shalt  }
0x85: {  	_ =	shalt  }
0x86: {  	_ =	shalt  }
0x87: {  	_ =	shalt  }
.Lfunc_end0:
.L_simem_size_0:
called_computation.1_lowered:
.L_overlay_start_0:
0x88: {  	s2 =	sld [smem:$0x3FD9]  }
0x89: {  	s3 =	sld [smem:$0x3FFE];
	_ =	sdelay $0x1  }
0x8a: {  	s1 =	srdreg.scid  }
0x8b: {  	s0 =	sand.u32 $0x1, s1  }
0x8c: {  	s15 =	sshll.u32 s0, $0xA;
	s2 =	sadd.s32 s3, s2  }
0x8d: {  	s2 =	sadd.s32 s2, s15  }
0x8e: {  	[smem:$0x3FC6] =	sst s2  }
0x8f: {  	_ = 	snop  }
0x90: {  	s16 =	sld [smem:$0x3FD0];
	_ =	sdelay $0x2  }
0x91: {  	s4 =	simm.s32 $0xB;
	s5 =	simm.s32 $0x10;
	s2 =	sld [smem:$0x3FC8]  }
0x92: {  	[smem:s5], [sflag:s4] =	dma.local [hbm:s16], $0x1  }
0x93: {  	_ =	swait.eq [sflag:s4], $0x1  }
0x94: {  	[sflag:s4] =	ssyncset.done $0x0  }
0x95: {  	[sflag:s4] =	ssyncadd.s32 $0xFFFFFFFF  }
0x96: {  	s17 =	sld [smem:$0x13];
	(tm) =	ssettm $0x1  }
0x97: {  	s18 =	sld [smem:$0x3FFB];
	_ =	sdelay $0x3  }
0x98: {  	_ =	strace s18  }
0x99: {  	s3 =	sld [smem:$0x3FFC];
	_ =	sdelay $0x3  }
0x9a: {  	_ =	strace s3  }
0x9b: {  	s3 =	sld [smem:$0x3FFD];
	_ =	sdelay $0x3  }
0x9c: {  	_ =	strace s3  }
0x9d: {  	_ =	strace $0x8FFFFFFF  }
0x9e: {  	s19 =	sld [smem:$0x3FDB];
	_ =	sdelay $0x1  }
0x9f: {  	s20 =	simm.s32 $_scs_section_size  }
0xa0: {  	s6 =	simm.s32 $_size__tile_overlayer_lowered;
	s7 =	simm.s32 $_tile_overlayer_lowered  }
0xa1: {  	s8 =	simm.s32 $0x1BFF;
	s21 =	sshll.u32 s7, $0x1;
	s5 =	sadd.s32 s20, s19  }
0xa2: {  	s22 =	simm.s32 $0x0;
	s6 =	sshll.u32 s6, $0x1;
	s7 =	sadd.s32 s21, s5  }
0xa3: {  	[timem:s22], [sflag:s8] =	dma.local [hbm:s7], s6  }
0xa4: {  	_ =	swait.ge [sflag:s8], s6  }
0xa5: {  	s6 =	ssub.s32 $0x0, s6;
	[sflag:s8] =	ssyncset.done $0x0  }
0xa6: {  	[sflag:s8] =	ssyncadd.s32 s6;
	_ =	sdelay $0x1  }
0xa7: {  	s23 =	simm.s32 $0x1B8B  }
0xa8: {  	_ =	swait.ge [sflag:s23], $0x1  }
0xa9: {  	[sflag:s23] =	ssyncset.done $0x0  }
0xaa: {  	[sflag:s23] =	ssyncadd.s32 $0xFFFFFFFF  }
0xab: {  	s6 =	sld [smem:$0x0]  }
0xac: {  	s7 =	sand.u32 $0xFFFFFFFE, s1  }
0xad: {  	p0 =	sne.s32 s1, s7  }
0xae: {  	s7 =	sshll.u32 @p0 s7, $0xE  }
0xaf: {  	s7 =	sadd.s32 @p0 $0x11B8D, s7;
	s8 =	sshll.u32 @p0 s6, $0x11  }
0xb0: {  	s7 =	sor.u32 @p0 s8, s7  }
0xb1: {  	[sflag:s7] =	ssyncadd.remote.s32 @p0 $0x1;
	_ =	sdelay $0x1  }
0xb2: {  	s7 =	simm.s32 @p0 $0x1B8D  }
0xb3: {  	_ =	swait.eq @p0 [sflag:s7], $0x1  }
0xb4: {  	[sflag:s7] =	ssyncadd.s32 @p0 $0xFFFFFFFF  }
0xb5: {  	s8 =	sshll.u32 @!p0 s1, $0xE  }
0xb6: {  	s8 =	sor.u32 @!p0 $0x4000, s8;
	s7 =	simm.s32 @!p0 $0x1B8D  }
0xb7: {  	s6 =	sshll.u32 @!p0 s6, $0x11;
	s8 =	sadd.s32 @!p0 $0x11B8D, s8;
	_ =	swait.eq @!p0 [sflag:s7], $0x1  }
0xb8: {  	s6 =	sor.u32 @!p0 s6, s8;
	[sflag:s7] =	ssyncadd.s32 @!p0 $0xFFFFFFFF  }
0xb9: {  	s25 =	simm.s32 $0x1B8E;
	s24 =	sld [smem:$0x3FFE];
	[sflag:s6] =	ssyncadd.remote.s32 @!p0 $0x1  }
0xba: {  	s26 =	simm.s32 $execute0_lowered;
	[smem:$0x3FD2] =	sst s25  }
0xbb: {  	s7 =	sshll.u32 s26, $0x1;
	_ =	strace $0x80000049;
	[dreg:$0x1] =	wrdreg $0xFFFFFFFF  }
0xbc: {  	s28 =	simm.s32 $_size_execute0_lowered;
	s5 =	sadd.s32 s5, s7;
	[dreg:$0x0] =	wrdreg $0x0  }
0xbd: {  	s7 =	sshll.u32 s28, $0x1;
	[dreg:$0x2] =	wrdreg s5  }
0xbe: {  	[dreg:$0x3] =	wrdreg s7  }
0xbf: {  	[dreg:$0x4] =	wrdreg $0xC0  }
0xc0: {  	_ =	task [dreg:s22], $0x5FFFF  }
0xc1: {  	[dreg:$0x1] =	wrdreg $0xFFFFFFFF  }
0xc2: {  	[dreg:$0x0] =	wrdreg $0x60  }
0xc3: {  	[dreg:$0x2] =	wrdreg s2  }
0xc4: {  	[dreg:$0x3] =	wrdreg s17  }
0xc5: {  	[dreg:$0x4] =	wrdreg s24  }
0xc6: {  	[dreg:$0x5] =	wrdreg $0xA  }
0xc7: {  	_ =	task.clear_ibuf [dreg:s22], $0x6FFFF;
	_ =	strace $0x90000049  }
0xc8: {  	s29 =	simm.s32 $0xA;
	_ =	strace $0x8000004B  }
0xc9: {  	_ =	swait.ge [sflag:s29], $0x1  }
0xca: {  	[sflag:s29] =	ssyncadd.s32 $0xFFFFFFFF  }
0xcb: {  	_ =	strace $0x9000004B  }
0xcc: {  	_ =	sfence  }
0xcd: {  	s30 =	sld [smem:$0x0];
	_ =	sdelay $0x2  }
0xce: {  	s31 =	sshll.u32 s1, $0xD;
	s1 =	sshrl.u32 s1, $0x2  }
0xcf: {  	s4 =	sand.u32 $0x4000, s31;
	s1 =	sadd.s32 s1, s30  }
0xd0: {  	s0 =	sor.u32 s4, s0;
	s1 =	sshll.u32 s1, $0x11  }
0xd1: {  	s0 =	sor.u32 s1, s0  }
0xd2: {  	s0 =	sadd.s32 $0x8F2B, s0  }
0xd3: {  	[sflag:s0] =	ssyncadd.remote.s32 $0x1  }
0xd4: {  	_ =	sfence.sel $0xFFFF  }
0xd5: {  	[dreg:$0x0] =	wrdreg $0xFFFFFFFF;
	(pc) =	sbr.abs _section_cstart, $3  }
0xd6: {  	[dreg:$0x1] =	wrdreg $0xFFFFFFFF  }
0xd7: {  	_ =	task.clear_ibuf [dreg:s22], $0x2FFFF;
	_ =	strace $0x9FFFFFFF  }
0xd8: {  	(tm) =	ssettm $0x7FFFFFFF  }
0xd9: {  	_ =	shalt  }
tec
execute0_lowered:
.L_overlay_start_1:
0x0: {  	(tag) =	ssettag $0x1  }
0x1: {  	s1 =	rddreg [dreg:$0x0]  }
0x2: {  	s0 =	srdreg.scid;
	s4 =	rddreg [dreg:$0x1]  }
0x3: {  	s3 =	stileid.u32;
	s5 =	rddreg [dreg:$0x2];
	s28 =	simm.s32 $0x2080  }
0x4: {  	s29 =	simm.s32 $0x2880;
	s30 =	simm.s32 $0x3080;
	s31 =	simm.s32 $0x3880  }
0x5: {  	s0 =	sand.u32 $0x1, s0;
	s2 =	sshll.u32 s3, $0x1;
	s7 =	sshll.u32 s3, $0xE  }
0x6: {  	s3 =	simm.s32 $0x0;
	s8 =	sadd.s32 $0xB400, s5;
	s2 =	sor.u32 s0, s2  }
0x7: {  	[smem:$0x7FF] =	sst s3;
	s0 =	ssub.s32 $0x2, s0;
	s6 =	sshll.u32 s2, $0x7  }
0x8: {  	_ =	strace $0x8000004A;
	s25 =	sshrl.u32 s0, $0x1;
	s26 =	sshll.u32 s2, $0xA  }
0x9: {  	s2 =	sshll.u32 s2, $0xF;
	s7 =	sor.u32 s7, s6;
	s0 =	ssub.s32 s0, s25  }
0xa: {  	s6 =	sadd.s32 s4, s6;
	s2 =	sadd.s32 s8, s2;
	s10 =	sor.u32 $0x80, s26  }
0xb: {  	s9 =	sor.u32 $0x100, s26;
	s14 =	sor.u32 $0x180, s26;
	s17 =	sor.u32 $0x200, s26  }
0xc: {  	s19 =	sor.u32 $0x280, s26;
	s22 =	sor.u32 $0x300, s26;
	[dreg:$0x4] =	wrdreg s6  }
0xd: {  	s7 =	sand.u32 $0x30380, s7;
	[dreg:$0x5] =	wrdreg s2;
	s11 =	sshrl.u32 s10, $0x3  }
0xe: {  	s2 =	sshll.u32 s10, $0x5;
	s12 =	sshrl.u32 s9, $0x3;
	s13 =	sshll.u32 s9, $0x5  }
0xf: {  	s15 =	sshrl.u32 s14, $0x3;
	s18 =	sshrl.u32 s17, $0x3;
	s20 =	sshrl.u32 s19, $0x3  }
0x10: {  	s21 =	sshll.u32 s19, $0x5;
	s23 =	sshrl.u32 s22, $0x3;
	s24 =	sshll.u32 s22, $0x5  }
0x11: {  	s22 =	simm.s32 $0x2;
	s9 =	simm.s32 $0x7880;
	s10 =	simm.s32 $0x1  }
0x12: {  	s7 =	sshrl.u32 s7, $0x3;
	s6 =	sadd.s32 s4, s11;
	s2 =	sadd.s32 s8, s2  }
0x13: {  	s11 =	simm.s32 $0x8080;
	s5 =	sadd.s32 s7, s5;
	[dreg:$0x6] =	wrdreg s6  }
0x14: {  	[dreg:$0x7] =	wrdreg s2;
	s2 =	sadd.s32 s4, s12;
	s6 =	sshll.u32 s14, $0x5  }
0x15: {  	s7 =	sor.u32 $0x380, s26;
	s12 =	simm.s32 $0x0;
	[dreg:$0x8] =	wrdreg s2  }
0x16: {  	s2 =	sadd.s32 s8, s13;
	s16 =	sadd.s32 s8, s6;
	s6 =	sadd.s32 s4, s18  }
0x17: {  	s25 =	sshrl.u32 s7, $0x3;
	s26 =	sshll.u32 s7, $0x5;
	[dreg:$0x9] =	wrdreg s2  }
0x18: {  	s7 =	simm.s32 $0x6880;
	s2 =	sadd.s32 s4, s15;
	[dreg:$0xb] =	wrdreg s16  }
0x19: {  	[dreg:$0xc] =	wrdreg s6;
	s15 =	sadd.s32 s8, s21;
	s16 =	sadd.s32 s4, s23  }
0x1a: {  	s18 =	sadd.s32 s4, s25;
	s19 =	sadd.s32 s8, s26;
	s21 =	smax.u32 s0, $0x1  }
0x1b: {  	s23 =	simm.s32 $0x80;
	s25 =	simm.s32 $0x1080;
	s26 =	simm.s32 $0x1880  }
0x1c: {  	s0 =	simm.s32 $0x4880;
	[dreg:$0xa] =	wrdreg s2;
	s2 =	sshll.u32 s17, $0x5  }
0x1d: {  	s6 =	simm.s32 $0x6080;
	s17 =	sadd.s32 s8, s24;
	s2 =	sadd.s32 s8, s2  }
0x1e: {  	v3 =	vlaneseq.u32;
	v0 =	vimm.f32 $0.0e+00;
	s24 =	simm.s32 $0x880;
	s8 =	simm.s32 $0x7080;
	[dreg:$0xd] =	wrdreg s2  }
0x1f: {  	vm0 =	vmmov $0xffff;
	v4 =	vimm.f32 $1.000000000e+00;
	v2 =	vshrl.u32 v3, $0x3;
	s2 =	sadd.s32 s4, s20;
	s20 =	sadd.s32 $0x3400, s5;
	s4 =	simm.s32 $0x5080  }
0x20: {  	v1 =	vand.u32 $0x7, v3;
	v3 =	vor.u32 $0x8, v3;
	v2 =	vmul.u32 $0x8, v2;
	s5 =	simm.s32 $0x5880;
	[dreg:$0xe] =	wrdreg s2;
	s2 =	simm.s32 $0x4080  }
.LBB2_1:
0x21: {  	s13 =	simm.s32 $0x40;
	s14 =	simm.s32 $0x0  }
.LBB2_2:
0x22: {  	p0 =	sne.s32 s13, $0x7FC0;
	[tilespmem:s14+$0x8080] =	vst v0;
	s14 =	smov.u32 s13;
	s13 =	sadd.s32 $0x40, s13  }
.Ltmp0:
0x23: {  	(pc) =	sbr.rel @p0 .LBB2_2-.Ltmp0, $2  }
0x24: {  	_ =	sdelay $0x2  }
0x25: {  	s14 =	sshra.s32 s14, $0x2  }
0x26: {  	[tilespmem:s14+$0x8080] =	vst v0;
	s13 =	rddreg [dreg:$0x4]  }
0x27: {  	[tilespmem:s3], [sflag:$0x2] =	stream.linear.gather [hbm4b:s13+s3], $0x80, $0x38;
	[tilespmem:$0xA080] =	vst v63  }
0x28: {  	_ =	swait.ge [sflag:s22], $0x80  }
0x29: {  	[sflag:s22] =	ssyncset.done $0x0  }
0x2a: {  	[sflag:s22] =	ssyncadd.s32 $0xFFFFFF80  }
0x2b: {  	v5 =	vld [tilespmem:$0x0];
	_ =	sdelay $0x4  }
0x2c: {  	v6 =	vshll.u32 v5, $0x1  }
0x2d: {  	v5 =	vand.u32 $0x7, v5;
	v6 =	vand.u32 $0xFFFFFFF0, v6  }
0x2e: {  	v5 =	vor.u32 v5, v6  }
0x2f: {  	v6 =	vperm.xlane v5, v1;
	_ =	sdelay $0x1  }
0x30: {  	v5 =	vperm.xlane v5, v3;
	v6 =	vadd.s32 v2, v6;
	_ =	sdelay $0x1  }
0x31: {  	v5 =	vadd.s32 v2, v5;
	_ =	sdelay $0x2  }
0x32: {  	[tilespmem:s23], [sflag:$0x1] =	stream.indirect_vreg.gather [hbm4b:s1+s3], $0x80, v6, vm0, $0xb8;
	[tilespmem:$0xA080] =	vst v63  }
0x33: {  	_ = 	snop  }
0x34: {  	[tilespmem:s24], [sflag:$0x1] =	stream.indirect_vreg.gather [hbm4b:s1+s3], $0x80, v5, vm0, $0xb8;
	[tilespmem:$0xA080] =	vst v63  }
0x35: {  	v5 =	vld [tilespmem:$0x10];
	_ =	sdelay $0x4  }
0x36: {  	v6 =	vshll.u32 v5, $0x1  }
0x37: {  	v5 =	vand.u32 $0x7, v5;
	v6 =	vand.u32 $0xFFFFFFF0, v6  }
0x38: {  	v5 =	vor.u32 v5, v6  }
0x39: {  	v6 =	vperm.xlane v5, v1;
	_ =	sdelay $0x1  }
0x3a: {  	v5 =	vperm.xlane v5, v3;
	v6 =	vadd.s32 v2, v6;
	_ =	sdelay $0x1  }
0x3b: {  	v5 =	vadd.s32 v2, v5;
	_ =	sdelay $0x2  }
0x3c: {  	[tilespmem:s25], [sflag:$0x1] =	stream.indirect_vreg.gather [hbm4b:s1+s3], $0x80, v6, vm0, $0xb8;
	[tilespmem:$0xA080] =	vst v63  }
0x3d: {  	_ = 	snop  }
0x3e: {  	[tilespmem:s26], [sflag:$0x1] =	stream.indirect_vreg.gather [hbm4b:s1+s3], $0x80, v5, vm0, $0xb8;
	[tilespmem:$0xA080] =	vst v63  }
0x3f: {  	v5 =	vld [tilespmem:$0x20];
	_ =	sdelay $0x4  }
0x40: {  	v6 =	vshll.u32 v5, $0x1  }
0x41: {  	v5 =	vand.u32 $0x7, v5;
	v6 =	vand.u32 $0xFFFFFFF0, v6  }
0x42: {  	v5 =	vor.u32 v5, v6  }
0x43: {  	v6 =	vperm.xlane v5, v1;
	_ =	sdelay $0x1  }
0x44: {  	v5 =	vperm.xlane v5, v3;
	v6 =	vadd.s32 v2, v6;
	_ =	sdelay $0x1  }
0x45: {  	v5 =	vadd.s32 v2, v5;
	_ =	sdelay $0x2  }
0x46: {  	[tilespmem:s28], [sflag:$0x1] =	stream.indirect_vreg.gather [hbm4b:s1+s3], $0x80, v6, vm0, $0xb8;
	[tilespmem:$0xA080] =	vst v63  }
0x47: {  	_ = 	snop  }
0x48: {  	[tilespmem:s29], [sflag:$0x1] =	stream.indirect_vreg.gather [hbm4b:s1+s3], $0x80, v5, vm0, $0xb8;
	[tilespmem:$0xA080] =	vst v63  }
0x49: {  	v5 =	vld [tilespmem:$0x30];
	_ =	sdelay $0x4  }
0x4a: {  	v6 =	vshll.u32 v5, $0x1  }
0x4b: {  	v5 =	vand.u32 $0x7, v5;
	v6 =	vand.u32 $0xFFFFFFF0, v6  }
0x4c: {  	v5 =	vor.u32 v5, v6  }
0x4d: {  	v6 =	vperm.xlane v5, v1;
	_ =	sdelay $0x1  }
0x4e: {  	v5 =	vperm.xlane v5, v3;
	v6 =	vadd.s32 v2, v6;
	_ =	sdelay $0x1  }
0x4f: {  	v5 =	vadd.s32 v2, v5;
	_ =	sdelay $0x2  }
0x50: {  	[tilespmem:s30], [sflag:$0x1] =	stream.indirect_vreg.gather [hbm4b:s1+s3], $0x80, v6, vm0, $0xb8;
	[tilespmem:$0xA080] =	vst v63  }
0x51: {  	_ = 	snop  }
0x52: {  	[tilespmem:s31], [sflag:$0x1] =	stream.indirect_vreg.gather [hbm4b:s1+s3], $0x80, v5, vm0, $0xb8;
	[tilespmem:$0xA080] =	vst v63  }
0x53: {  	v5 =	vld [tilespmem:$0x40];
	_ =	sdelay $0x4  }
0x54: {  	v6 =	vshll.u32 v5, $0x1  }
0x55: {  	v5 =	vand.u32 $0x7, v5;
	v6 =	vand.u32 $0xFFFFFFF0, v6  }
0x56: {  	v5 =	vor.u32 v5, v6  }
0x57: {  	v6 =	vperm.xlane v5, v1;
	_ =	sdelay $0x1  }
0x58: {  	v5 =	vperm.xlane v5, v3;
	v6 =	vadd.s32 v2, v6;
	_ =	sdelay $0x1  }
0x59: {  	v5 =	vadd.s32 v2, v5;
	_ =	sdelay $0x2  }
0x5a: {  	[tilespmem:s2], [sflag:$0x1] =	stream.indirect_vreg.gather [hbm4b:s1+s3], $0x80, v6, vm0, $0xb8;
	[tilespmem:$0xA080] =	vst v63  }
0x5b: {  	_ = 	snop  }
0x5c: {  	[tilespmem:s0], [sflag:$0x1] =	stream.indirect_vreg.gather [hbm4b:s1+s3], $0x80, v5, vm0, $0xb8;
	[tilespmem:$0xA080] =	vst v63  }
0x5d: {  	v5 =	vld [tilespmem:$0x50];
	_ =	sdelay $0x4  }
0x5e: {  	v6 =	vshll.u32 v5, $0x1  }
0x5f: {  	v5 =	vand.u32 $0x7, v5;
	v6 =	vand.u32 $0xFFFFFFF0, v6  }
0x60: {  	v5 =	vor.u32 v5, v6  }
0x61: {  	v6 =	vperm.xlane v5, v1;
	_ =	sdelay $0x1  }
0x62: {  	v5 =	vperm.xlane v5, v3;
	v6 =	vadd.s32 v2, v6;
	_ =	sdelay $0x1  }
0x63: {  	v5 =	vadd.s32 v2, v5;
	_ =	sdelay $0x2  }
0x64: {  	[tilespmem:s4], [sflag:$0x1] =	stream.indirect_vreg.gather [hbm4b:s1+s3], $0x80, v6, vm0, $0xb8;
	[tilespmem:$0xA080] =	vst v63  }
0x65: {  	_ = 	snop  }
0x66: {  	[tilespmem:s5], [sflag:$0x1] =	stream.indirect_vreg.gather [hbm4b:s1+s3], $0x80, v5, vm0, $0xb8;
	[tilespmem:$0xA080] =	vst v63  }
0x67: {  	v5 =	vld [tilespmem:$0x60];
	_ =	sdelay $0x4  }
0x68: {  	v6 =	vshll.u32 v5, $0x1  }
0x69: {  	v5 =	vand.u32 $0x7, v5;
	v6 =	vand.u32 $0xFFFFFFF0, v6  }
0x6a: {  	v5 =	vor.u32 v5, v6  }
0x6b: {  	v6 =	vperm.xlane v5, v1;
	_ =	sdelay $0x1  }
0x6c: {  	v5 =	vperm.xlane v5, v3;
	v6 =	vadd.s32 v2, v6;
	_ =	sdelay $0x1  }
0x6d: {  	v5 =	vadd.s32 v2, v5;
	_ =	sdelay $0x2  }
0x6e: {  	[tilespmem:s6], [sflag:$0x1] =	stream.indirect_vreg.gather [hbm4b:s1+s3], $0x80, v6, vm0, $0xb8;
	[tilespmem:$0xA080] =	vst v63  }
0x6f: {  	_ = 	snop  }
0x70: {  	[tilespmem:s7], [sflag:$0x1] =	stream.indirect_vreg.gather [hbm4b:s1+s3], $0x80, v5, vm0, $0xb8;
	[tilespmem:$0xA080] =	vst v63  }
0x71: {  	v5 =	vld [tilespmem:$0x70];
	_ =	sdelay $0x4  }
0x72: {  	v6 =	vshll.u32 v5, $0x1  }
0x73: {  	v5 =	vand.u32 $0x7, v5;
	v6 =	vand.u32 $0xFFFFFFF0, v6  }
0x74: {  	v5 =	vor.u32 v5, v6  }
0x75: {  	v6 =	vperm.xlane v5, v1;
	_ =	sdelay $0x1  }
0x76: {  	v5 =	vperm.xlane v5, v3;
	v6 =	vadd.s32 v2, v6;
	_ =	sdelay $0x1  }
0x77: {  	v5 =	vadd.s32 v2, v5;
	_ =	sdelay $0x2  }
0x78: {  	[tilespmem:s8], [sflag:$0x1] =	stream.indirect_vreg.gather [hbm4b:s1+s3], $0x80, v6, vm0, $0xb8;
	[tilespmem:$0xA080] =	vst v63  }
0x79: {  	_ = 	snop  }
0x7a: {  	[tilespmem:s9], [sflag:$0x1] =	stream.indirect_vreg.gather [hbm4b:s1+s3], $0x80, v5, vm0, $0xb8;
	[tilespmem:$0xA080] =	vst v63  }
0x7b: {  	_ =	swait.ge [sflag:s10], $0x8000  }
0x7c: {  	[sflag:s10] =	ssyncset.done $0x0  }
0x7d: {  	s14 =	rddreg [dreg:$0x5];
	[sflag:s10] =	ssyncadd.s32 $0xFFFF8000  }
0x7e: {  	[hbm4b:s14+s3] =	stream.linear.scatter [tilespmem:s23], [sflag:$0x2], $0x8000, $0x38;
	[tilespmem:$0xA080] =	vst v63  }
0x7f: {  	_ =	swait.ge [sflag:s22], $0x8000  }
0x80: {  	[sflag:s22] =	ssyncset.done $0x0  }
0x81: {  	[sflag:s22] =	ssyncadd.s32 $0xFFFF8000  }
0x82: {  	v5 =	vld [tilespmem:$0x0];
	_ =	sdelay $0x7  }
0x83: {  	[tilespmem:v5+s11+$0x0] =	vst.idx.add.f32.msk $0xffff, v4  }
0x84: {  	v5 =	vld [tilespmem:$0x10];
	_ =	sdelay $0x7  }
0x85: {  	[tilespmem:v5+s11+$0x0] =	vst.idx.add.f32.msk $0xffff, v4  }
0x86: {  	v5 =	vld [tilespmem:$0x20];
	_ =	sdelay $0x7  }
0x87: {  	[tilespmem:v5+s11+$0x0] =	vst.idx.add.f32.msk $0xffff, v4  }
0x88: {  	v5 =	vld [tilespmem:$0x30];
	_ =	sdelay $0x7  }
0x89: {  	[tilespmem:v5+s11+$0x0] =	vst.idx.add.f32.msk $0xffff, v4  }
0x8a: {  	v5 =	vld [tilespmem:$0x40];
	_ =	sdelay $0x7  }
0x8b: {  	[tilespmem:v5+s11+$0x0] =	vst.idx.add.f32.msk $0xffff, v4  }
0x8c: {  	v5 =	vld [tilespmem:$0x50];
	_ =	sdelay $0x7  }
0x8d: {  	[tilespmem:v5+s11+$0x0] =	vst.idx.add.f32.msk $0xffff, v4  }
0x8e: {  	v5 =	vld [tilespmem:$0x60];
	_ =	sdelay $0x7  }
0x8f: {  	[tilespmem:v5+s11+$0x0] =	vst.idx.add.f32.msk $0xffff, v4  }
0x90: {  	v5 =	vld [tilespmem:$0x70];
	_ =	sdelay $0x7  }
0x91: {  	s14 =	rddreg [dreg:$0x6];
	[tilespmem:v5+s11+$0x0] =	vst.idx.add.f32.msk $0xffff, v4  }
0x92: {  	[tilespmem:s3], [sflag:$0x2] =	stream.linear.gather [hbm4b:s14+s3], $0x80, $0x38;
	[tilespmem:$0xA080] =	vst v63  }
0x93: {  	_ =	swait.ge [sflag:s22], $0x80  }
0x94: {  	[sflag:s22] =	ssyncset.done $0x0  }
0x95: {  	[sflag:s22] =	ssyncadd.s32 $0xFFFFFF80  }
0x96: {  	v5 =	vld [tilespmem:$0x0];
	_ =	sdelay $0x4  }
0x97: {  	v6 =	vshll.u32 v5, $0x1  }
0x98: {  	v5 =	vand.u32 $0x7, v5;
	v6 =	vand.u32 $0xFFFFFFF0, v6  }
0x99: {  	v5 =	vor.u32 v5, v6  }
0x9a: {  	v6 =	vperm.xlane v5, v1;
	_ =	sdelay $0x1  }
0x9b: {  	v5 =	vperm.xlane v5, v3;
	v6 =	vadd.s32 v2, v6;
	_ =	sdelay $0x1  }
0x9c: {  	v5 =	vadd.s32 v2, v5;
	_ =	sdelay $0x2  }
0x9d: {  	[tilespmem:s23], [sflag:$0x1] =	stream.indirect_vreg.gather [hbm4b:s1+s3], $0x80, v6, vm0, $0xb8;
	[tilespmem:$0xA080] =	vst v63  }
0x9e: {  	_ = 	snop  }
0x9f: {  	[tilespmem:s24], [sflag:$0x1] =	stream.indirect_vreg.gather [hbm4b:s1+s3], $0x80, v5, vm0, $0xb8;
	[tilespmem:$0xA080] =	vst v63  }
0xa0: {  	v5 =	vld [tilespmem:$0x10];
	_ =	sdelay $0x4  }
0xa1: {  	v6 =	vshll.u32 v5, $0x1  }
0xa2: {  	v5 =	vand.u32 $0x7, v5;
	v6 =	vand.u32 $0xFFFFFFF0, v6  }
0xa3: {  	v5 =	vor.u32 v5, v6  }
0xa4: {  	v6 =	vperm.xlane v5, v1;
	_ =	sdelay $0x1  }
0xa5: {  	v5 =	vperm.xlane v5, v3;
	v6 =	vadd.s32 v2, v6;
	_ =	sdelay $0x1  }
0xa6: {  	v5 =	vadd.s32 v2, v5;
	_ =	sdelay $0x2  }
0xa7: {  	[tilespmem:s25], [sflag:$0x1] =	stream.indirect_vreg.gather [hbm4b:s1+s3], $0x80, v6, vm0, $0xb8;
	[tilespmem:$0xA080] =	vst v63  }
0xa8: {  	_ = 	snop  }
0xa9: {  	[tilespmem:s26], [sflag:$0x1] =	stream.indirect_vreg.gather [hbm4b:s1+s3], $0x80, v5, vm0, $0xb8;
	[tilespmem:$0xA080] =	vst v63  }
0xaa: {  	v5 =	vld [tilespmem:$0x20];
	_ =	sdelay $0x4  }
0xab: {  	v6 =	vshll.u32 v5, $0x1  }
0xac: {  	v5 =	vand.u32 $0x7, v5;
	v6 =	vand.u32 $0xFFFFFFF0, v6  }
0xad: {  	v5 =	vor.u32 v5, v6  }
0xae: {  	v6 =	vperm.xlane v5, v1;
	_ =	sdelay $0x1  }
0xaf: {  	v5 =	vperm.xlane v5, v3;
	v6 =	vadd.s32 v2, v6;
	_ =	sdelay $0x1  }
0xb0: {  	v5 =	vadd.s32 v2, v5;
	_ =	sdelay $0x2  }
0xb1: {  	[tilespmem:s28], [sflag:$0x1] =	stream.indirect_vreg.gather [hbm4b:s1+s3], $0x80, v6, vm0, $0xb8;
	[tilespmem:$0xA080] =	vst v63  }
0xb2: {  	_ = 	snop  }
0xb3: {  	[tilespmem:s29], [sflag:$0x1] =	stream.indirect_vreg.gather [hbm4b:s1+s3], $0x80, v5, vm0, $0xb8;
	[tilespmem:$0xA080] =	vst v63  }
0xb4: {  	v5 =	vld [tilespmem:$0x30];
	_ =	sdelay $0x4  }
0xb5: {  	v6 =	vshll.u32 v5, $0x1  }
0xb6: {  	v5 =	vand.u32 $0x7, v5;
	v6 =	vand.u32 $0xFFFFFFF0, v6  }
0xb7: {  	v5 =	vor.u32 v5, v6  }
0xb8: {  	v6 =	vperm.xlane v5, v1;
	_ =	sdelay $0x1  }
0xb9: {  	v5 =	vperm.xlane v5, v3;
	v6 =	vadd.s32 v2, v6;
	_ =	sdelay $0x1  }
0xba: {  	v5 =	vadd.s32 v2, v5;
	_ =	sdelay $0x2  }
0xbb: {  	[tilespmem:s30], [sflag:$0x1] =	stream.indirect_vreg.gather [hbm4b:s1+s3], $0x80, v6, vm0, $0xb8;
	[tilespmem:$0xA080] =	vst v63  }
0xbc: {  	_ = 	snop  }
0xbd: {  	[tilespmem:s31], [sflag:$0x1] =	stream.indirect_vreg.gather [hbm4b:s1+s3], $0x80, v5, vm0, $0xb8;
	[tilespmem:$0xA080] =	vst v63  }
0xbe: {  	v5 =	vld [tilespmem:$0x40];
	_ =	sdelay $0x4  }
0xbf: {  	v6 =	vshll.u32 v5, $0x1  }
0xc0: {  	v5 =	vand.u32 $0x7, v5;
	v6 =	vand.u32 $0xFFFFFFF0, v6  }
0xc1: {  	v5 =	vor.u32 v5, v6  }
0xc2: {  	v6 =	vperm.xlane v5, v1;
	_ =	sdelay $0x1  }
0xc3: {  	v5 =	vperm.xlane v5, v3;
	v6 =	vadd.s32 v2, v6;
	_ =	sdelay $0x1  }
0xc4: {  	v5 =	vadd.s32 v2, v5;
	_ =	sdelay $0x2  }
0xc5: {  	[tilespmem:s2], [sflag:$0x1] =	stream.indirect_vreg.gather [hbm4b:s1+s3], $0x80, v6, vm0, $0xb8;
	[tilespmem:$0xA080] =	vst v63  }
0xc6: {  	_ = 	snop  }
0xc7: {  	[tilespmem:s0], [sflag:$0x1] =	stream.indirect_vreg.gather [hbm4b:s1+s3], $0x80, v5, vm0, $0xb8;
	[tilespmem:$0xA080] =	vst v63  }
0xc8: {  	v5 =	vld [tilespmem:$0x50];
	_ =	sdelay $0x4  }
0xc9: {  	v6 =	vshll.u32 v5, $0x1  }
0xca: {  	v5 =	vand.u32 $0x7, v5;
	v6 =	vand.u32 $0xFFFFFFF0, v6  }
0xcb: {  	v5 =	vor.u32 v5, v6  }
0xcc: {  	v6 =	vperm.xlane v5, v1;
	_ =	sdelay $0x1  }
0xcd: {  	v5 =	vperm.xlane v5, v3;
	v6 =	vadd.s32 v2, v6;
	_ =	sdelay $0x1  }
0xce: {  	v5 =	vadd.s32 v2, v5;
	_ =	sdelay $0x2  }
0xcf: {  	[tilespmem:s4], [sflag:$0x1] =	stream.indirect_vreg.gather [hbm4b:s1+s3], $0x80, v6, vm0, $0xb8;
	[tilespmem:$0xA080] =	vst v63  }
0xd0: {  	_ = 	snop  }
0xd1: {  	[tilespmem:s5], [sflag:$0x1] =	stream.indirect_vreg.gather [hbm4b:s1+s3], $0x80, v5, vm0, $0xb8;
	[tilespmem:$0xA080] =	vst v63  }
0xd2: {  	v5 =	vld [tilespmem:$0x60];
	_ =	sdelay $0x4  }
0xd3: {  	v6 =	vshll.u32 v5, $0x1  }
0xd4: {  	v5 =	vand.u32 $0x7, v5;
	v6 =	vand.u32 $0xFFFFFFF0, v6  }
0xd5: {  	v5 =	vor.u32 v5, v6  }
0xd6: {  	v6 =	vperm.xlane v5, v1;
	_ =	sdelay $0x1  }
0xd7: {  	v5 =	vperm.xlane v5, v3;
	v6 =	vadd.s32 v2, v6;
	_ =	sdelay $0x1  }
0xd8: {  	v5 =	vadd.s32 v2, v5;
	_ =	sdelay $0x2  }
0xd9: {  	[tilespmem:s6], [sflag:$0x1] =	stream.indirect_vreg.gather [hbm4b:s1+s3], $0x80, v6, vm0, $0xb8;
	[tilespmem:$0xA080] =	vst v63  }
0xda: {  	_ = 	snop  }
0xdb: {  	[tilespmem:s7], [sflag:$0x1] =	stream.indirect_vreg.gather [hbm4b:s1+s3], $0x80, v5, vm0, $0xb8;
	[tilespmem:$0xA080] =	vst v63  }
0xdc: {  	v5 =	vld [tilespmem:$0x70];
	_ =	sdelay $0x4  }
0xdd: {  	v6 =	vshll.u32 v5, $0x1  }
0xde: {  	v5 =	vand.u32 $0x7, v5;
	v6 =	vand.u32 $0xFFFFFFF0, v6  }
0xdf: {  	v5 =	vor.u32 v5, v6  }
0xe0: {  	v6 =	vperm.xlane v5, v1;
	_ =	sdelay $0x1  }
0xe1: {  	v5 =	vperm.xlane v5, v3;
	v6 =	vadd.s32 v2, v6;
	_ =	sdelay $0x1  }
0xe2: {  	v5 =	vadd.s32 v2, v5;
	_ =	sdelay $0x2  }
0xe3: {  	[tilespmem:s8], [sflag:$0x1] =	stream.indirect_vreg.gather [hbm4b:s1+s3], $0x80, v6, vm0, $0xb8;
	[tilespmem:$0xA080] =	vst v63  }
0xe4: {  	_ = 	snop  }
0xe5: {  	[tilespmem:s9], [sflag:$0x1] =	stream.indirect_vreg.gather [hbm4b:s1+s3], $0x80, v5, vm0, $0xb8;
	[tilespmem:$0xA080] =	vst v63  }
0xe6: {  	_ =	swait.ge [sflag:s10], $0x8000  }
0xe7: {  	[sflag:s10] =	ssyncset.done $0x0  }
0xe8: {  	s14 =	rddreg [dreg:$0x7];
	[sflag:s10] =	ssyncadd.s32 $0xFFFF8000  }
0xe9: {  	[hbm4b:s14+s3] =	stream.linear.scatter [tilespmem:s23], [sflag:$0x2], $0x8000, $0x38;
	[tilespmem:$0xA080] =	vst v63  }
0xea: {  	_ =	swait.ge [sflag:s22], $0x8000  }
0xeb: {  	[sflag:s22] =	ssyncset.done $0x0  }
0xec: {  	[sflag:s22] =	ssyncadd.s32 $0xFFFF8000  }
0xed: {  	v5 =	vld [tilespmem:$0x0];
	_ =	sdelay $0x7  }
0xee: {  	[tilespmem:v5+s11+$0x0] =	vst.idx.add.f32.msk $0xffff, v4  }
0xef: {  	v5 =	vld [tilespmem:$0x10];
	_ =	sdelay $0x7  }
0xf0: {  	[tilespmem:v5+s11+$0x0] =	vst.idx.add.f32.msk $0xffff, v4  }
0xf1: {  	v5 =	vld [tilespmem:$0x20];
	_ =	sdelay $0x7  }
0xf2: {  	[tilespmem:v5+s11+$0x0] =	vst.idx.add.f32.msk $0xffff, v4  }
0xf3: {  	v5 =	vld [tilespmem:$0x30];
	_ =	sdelay $0x7  }
0xf4: {  	[tilespmem:v5+s11+$0x0] =	vst.idx.add.f32.msk $0xffff, v4  }
0xf5: {  	v5 =	vld [tilespmem:$0x40];
	_ =	sdelay $0x7  }
0xf6: {  	[tilespmem:v5+s11+$0x0] =	vst.idx.add.f32.msk $0xffff, v4  }
0xf7: {  	v5 =	vld [tilespmem:$0x50];
	_ =	sdelay $0x7  }
0xf8: {  	[tilespmem:v5+s11+$0x0] =	vst.idx.add.f32.msk $0xffff, v4  }
0xf9: {  	v5 =	vld [tilespmem:$0x60];
	_ =	sdelay $0x7  }
0xfa: {  	[tilespmem:v5+s11+$0x0] =	vst.idx.add.f32.msk $0xffff, v4  }
0xfb: {  	v5 =	vld [tilespmem:$0x70];
	_ =	sdelay $0x7  }
0xfc: {  	s14 =	rddreg [dreg:$0x8];
	[tilespmem:v5+s11+$0x0] =	vst.idx.add.f32.msk $0xffff, v4  }
0xfd: {  	[tilespmem:s3], [sflag:$0x2] =	stream.linear.gather [hbm4b:s14+s3], $0x80, $0x38;
	[tilespmem:$0xA080] =	vst v63  }
0xfe: {  	_ =	swait.ge [sflag:s22], $0x80  }
0xff: {  	[sflag:s22] =	ssyncset.done $0x0  }
0x100: {  	[sflag:s22] =	ssyncadd.s32 $0xFFFFFF80  }
0x101: {  	v5 =	vld [tilespmem:$0x0];
	_ =	sdelay $0x4  }
0x102: {  	v6 =	vshll.u32 v5, $0x1  }
0x103: {  	v5 =	vand.u32 $0x7, v5;
	v6 =	vand.u32 $0xFFFFFFF0, v6  }
0x104: {  	v5 =	vor.u32 v5, v6  }
0x105: {  	v6 =	vperm.xlane v5, v1;
	_ =	sdelay $0x1  }
0x106: {  	v5 =	vperm.xlane v5, v3;
	v6 =	vadd.s32 v2, v6;
	_ =	sdelay $0x1  }
0x107: {  	v5 =	vadd.s32 v2, v5;
	_ =	sdelay $0x2  }
0x108: {  	[tilespmem:s23], [sflag:$0x1] =	stream.indirect_vreg.gather [hbm4b:s1+s3], $0x80, v6, vm0, $0xb8;
	[tilespmem:$0xA080] =	vst v63  }
0x109: {  	_ = 	snop  }
0x10a: {  	[tilespmem:s24], [sflag:$0x1] =	stream.indirect_vreg.gather [hbm4b:s1+s3], $0x80, v5, vm0, $0xb8;
	[tilespmem:$0xA080] =	vst v63  }
0x10b: {  	v5 =	vld [tilespmem:$0x10];
	_ =	sdelay $0x4  }
0x10c: {  	v6 =	vshll.u32 v5, $0x1  }
0x10d: {  	v5 =	vand.u32 $0x7, v5;
	v6 =	vand.u32 $0xFFFFFFF0, v6  }
0x10e: {  	v5 =	vor.u32 v5, v6  }
0x10f: {  	v6 =	vperm.xlane v5, v1;
	_ =	sdelay $0x1  }
0x110: {  	v5 =	vperm.xlane v5, v3;
	v6 =	vadd.s32 v2, v6;
	_ =	sdelay $0x1  }
0x111: {  	v5 =	vadd.s32 v2, v5;
	_ =	sdelay $0x2  }
0x112: {  	[tilespmem:s25], [sflag:$0x1] =	stream.indirect_vreg.gather [hbm4b:s1+s3], $0x80, v6, vm0, $0xb8;
	[tilespmem:$0xA080] =	vst v63  }
0x113: {  	_ = 	snop  }
0x114: {  	[tilespmem:s26], [sflag:$0x1] =	stream.indirect_vreg.gather [hbm4b:s1+s3], $0x80, v5, vm0, $0xb8;
	[tilespmem:$0xA080] =	vst v63  }
0x115: {  	v5 =	vld [tilespmem:$0x20];
	_ =	sdelay $0x4  }
0x116: {  	v6 =	vshll.u32 v5, $0x1  }
0x117: {  	v5 =	vand.u32 $0x7, v5;
	v6 =	vand.u32 $0xFFFFFFF0, v6  }
0x118: {  	v5 =	vor.u32 v5, v6  }
0x119: {  	v6 =	vperm.xlane v5, v1;
	_ =	sdelay $0x1  }
0x11a: {  	v5 =	vperm.xlane v5, v3;
	v6 =	vadd.s32 v2, v6;
	_ =	sdelay $0x1  }
0x11b: {  	v5 =	vadd.s32 v2, v5;
	_ =	sdelay $0x2  }
0x11c: {  	[tilespmem:s28], [sflag:$0x1] =	stream.indirect_vreg.gather [hbm4b:s1+s3], $0x80, v6, vm0, $0xb8;
	[tilespmem:$0xA080] =	vst v63  }
0x11d: {  	_ = 	snop  }
0x11e: {  	[tilespmem:s29], [sflag:$0x1] =	stream.indirect_vreg.gather [hbm4b:s1+s3], $0x80, v5, vm0, $0xb8;
	[tilespmem:$0xA080] =	vst v63  }
0x11f: {  	v5 =	vld [tilespmem:$0x30];
	_ =	sdelay $0x4  }
0x120: {  	v6 =	vshll.u32 v5, $0x1  }
0x121: {  	v5 =	vand.u32 $0x7, v5;
	v6 =	vand.u32 $0xFFFFFFF0, v6  }
0x122: {  	v5 =	vor.u32 v5, v6  }
0x123: {  	v6 =	vperm.xlane v5, v1;
	_ =	sdelay $0x1  }
0x124: {  	v5 =	vperm.xlane v5, v3;
	v6 =	vadd.s32 v2, v6;
	_ =	sdelay $0x1  }
0x125: {  	v5 =	vadd.s32 v2, v5;
	_ =	sdelay $0x2  }
0x126: {  	[tilespmem:s30], [sflag:$0x1] =	stream.indirect_vreg.gather [hbm4b:s1+s3], $0x80, v6, vm0, $0xb8;
	[tilespmem:$0xA080] =	vst v63  }
0x127: {  	_ = 	snop  }
0x128: {  	[tilespmem:s31], [sflag:$0x1] =	stream.indirect_vreg.gather [hbm4b:s1+s3], $0x80, v5, vm0, $0xb8;
	[tilespmem:$0xA080] =	vst v63  }
0x129: {  	v5 =	vld [tilespmem:$0x40];
	_ =	sdelay $0x4  }
0x12a: {  	v6 =	vshll.u32 v5, $0x1  }
0x12b: {  	v5 =	vand.u32 $0x7, v5;
	v6 =	vand.u32 $0xFFFFFFF0, v6  }
0x12c: {  	v5 =	vor.u32 v5, v6  }
0x12d: {  	v6 =	vperm.xlane v5, v1;
	_ =	sdelay $0x1  }
0x12e: {  	v5 =	vperm.xlane v5, v3;
	v6 =	vadd.s32 v2, v6;
	_ =	sdelay $0x1  }
0x12f: {  	v5 =	vadd.s32 v2, v5;
	_ =	sdelay $0x2  }
0x130: {  	[tilespmem:s2], [sflag:$0x1] =	stream.indirect_vreg.gather [hbm4b:s1+s3], $0x80, v6, vm0, $0xb8;
	[tilespmem:$0xA080] =	vst v63  }
0x131: {  	_ = 	snop  }
0x132: {  	[tilespmem:s0], [sflag:$0x1] =	stream.indirect_vreg.gather [hbm4b:s1+s3], $0x80, v5, vm0, $0xb8;
	[tilespmem:$0xA080] =	vst v63  }
0x133: {  	v5 =	vld [tilespmem:$0x50];
	_ =	sdelay $0x4  }
0x134: {  	v6 =	vshll.u32 v5, $0x1  }
0x135: {  	v5 =	vand.u32 $0x7, v5;
	v6 =	vand.u32 $0xFFFFFFF0, v6  }
0x136: {  	v5 =	vor.u32 v5, v6  }
0x137: {  	v6 =	vperm.xlane v5, v1;
	_ =	sdelay $0x1  }
0x138: {  	v5 =	vperm.xlane v5, v3;
	v6 =	vadd.s32 v2, v6;
	_ =	sdelay $0x1  }
0x139: {  	v5 =	vadd.s32 v2, v5;
	_ =	sdelay $0x2  }
0x13a: {  	[tilespmem:s4], [sflag:$0x1] =	stream.indirect_vreg.gather [hbm4b:s1+s3], $0x80, v6, vm0, $0xb8;
	[tilespmem:$0xA080] =	vst v63  }
0x13b: {  	_ = 	snop  }
0x13c: {  	[tilespmem:s5], [sflag:$0x1] =	stream.indirect_vreg.gather [hbm4b:s1+s3], $0x80, v5, vm0, $0xb8;
	[tilespmem:$0xA080] =	vst v63  }
0x13d: {  	v5 =	vld [tilespmem:$0x60];
	_ =	sdelay $0x4  }
0x13e: {  	v6 =	vshll.u32 v5, $0x1  }
0x13f: {  	v5 =	vand.u32 $0x7, v5;
	v6 =	vand.u32 $0xFFFFFFF0, v6  }
0x140: {  	v5 =	vor.u32 v5, v6  }
0x141: {  	v6 =	vperm.xlane v5, v1;
	_ =	sdelay $0x1  }
0x142: {  	v5 =	vperm.xlane v5, v3;
	v6 =	vadd.s32 v2, v6;
	_ =	sdelay $0x1  }
0x143: {  	v5 =	vadd.s32 v2, v5;
	_ =	sdelay $0x2  }
0x144: {  	[tilespmem:s6], [sflag:$0x1] =	stream.indirect_vreg.gather [hbm4b:s1+s3], $0x80, v6, vm0, $0xb8;
	[tilespmem:$0xA080] =	vst v63  }
0x145: {  	_ = 	snop  }
0x146: {  	[tilespmem:s7], [sflag:$0x1] =	stream.indirect_vreg.gather [hbm4b:s1+s3], $0x80, v5, vm0, $0xb8;
	[tilespmem:$0xA080] =	vst v63  }
0x147: {  	v5 =	vld [tilespmem:$0x70];
	_ =	sdelay $0x4  }
0x148: {  	v6 =	vshll.u32 v5, $0x1  }
0x149: {  	v5 =	vand.u32 $0x7, v5;
	v6 =	vand.u32 $0xFFFFFFF0, v6  }
0x14a: {  	v5 =	vor.u32 v5, v6  }
0x14b: {  	v6 =	vperm.xlane v5, v1;
	_ =	sdelay $0x1  }
0x14c: {  	v5 =	vperm.xlane v5, v3;
	v6 =	vadd.s32 v2, v6;
	_ =	sdelay $0x1  }
0x14d: {  	v5 =	vadd.s32 v2, v5;
	_ =	sdelay $0x2  }
0x14e: {  	[tilespmem:s8], [sflag:$0x1] =	stream.indirect_vreg.gather [hbm4b:s1+s3], $0x80, v6, vm0, $0xb8;
	[tilespmem:$0xA080] =	vst v63  }
0x14f: {  	_ = 	snop  }
0x150: {  	[tilespmem:s9], [sflag:$0x1] =	stream.indirect_vreg.gather [hbm4b:s1+s3], $0x80, v5, vm0, $0xb8;
	[tilespmem:$0xA080] =	vst v63  }
0x151: {  	_ =	swait.ge [sflag:s10], $0x8000  }
0x152: {  	[sflag:s10] =	ssyncset.done $0x0  }
0x153: {  	s14 =	rddreg [dreg:$0x9];
	[sflag:s10] =	ssyncadd.s32 $0xFFFF8000  }
0x154: {  	[hbm4b:s14+s3] =	stream.linear.scatter [tilespmem:s23], [sflag:$0x2], $0x8000, $0x38;
	[tilespmem:$0xA080] =	vst v63  }
0x155: {  	_ =	swait.ge [sflag:s22], $0x8000  }
0x156: {  	[sflag:s22] =	ssyncset.done $0x0  }
0x157: {  	[sflag:s22] =	ssyncadd.s32 $0xFFFF8000  }
0x158: {  	v5 =	vld [tilespmem:$0x0];
	_ =	sdelay $0x7  }
0x159: {  	[tilespmem:v5+s11+$0x0] =	vst.idx.add.f32.msk $0xffff, v4  }
0x15a: {  	v5 =	vld [tilespmem:$0x10];
	_ =	sdelay $0x7  }
0x15b: {  	[tilespmem:v5+s11+$0x0] =	vst.idx.add.f32.msk $0xffff, v4  }
0x15c: {  	v5 =	vld [tilespmem:$0x20];
	_ =	sdelay $0x7  }
0x15d: {  	[tilespmem:v5+s11+$0x0] =	vst.idx.add.f32.msk $0xffff, v4  }
0x15e: {  	v5 =	vld [tilespmem:$0x30];
	_ =	sdelay $0x7  }
0x15f: {  	[tilespmem:v5+s11+$0x0] =	vst.idx.add.f32.msk $0xffff, v4  }
0x160: {  	v5 =	vld [tilespmem:$0x40];
	_ =	sdelay $0x7  }
0x161: {  	[tilespmem:v5+s11+$0x0] =	vst.idx.add.f32.msk $0xffff, v4  }
0x162: {  	v5 =	vld [tilespmem:$0x50];
	_ =	sdelay $0x7  }
0x163: {  	[tilespmem:v5+s11+$0x0] =	vst.idx.add.f32.msk $0xffff, v4  }
0x164: {  	v5 =	vld [tilespmem:$0x60];
	_ =	sdelay $0x7  }
0x165: {  	[tilespmem:v5+s11+$0x0] =	vst.idx.add.f32.msk $0xffff, v4  }
0x166: {  	v5 =	vld [tilespmem:$0x70];
	_ =	sdelay $0x7  }
0x167: {  	s14 =	rddreg [dreg:$0xa];
	[tilespmem:v5+s11+$0x0] =	vst.idx.add.f32.msk $0xffff, v4  }
0x168: {  	[tilespmem:s3], [sflag:$0x2] =	stream.linear.gather [hbm4b:s14+s3], $0x80, $0x38;
	[tilespmem:$0xA080] =	vst v63  }
0x169: {  	_ =	swait.ge [sflag:s22], $0x80  }
0x16a: {  	[sflag:s22] =	ssyncset.done $0x0  }
0x16b: {  	[sflag:s22] =	ssyncadd.s32 $0xFFFFFF80  }
0x16c: {  	v5 =	vld [tilespmem:$0x0];
	_ =	sdelay $0x4  }
0x16d: {  	v6 =	vshll.u32 v5, $0x1  }
0x16e: {  	v5 =	vand.u32 $0x7, v5;
	v6 =	vand.u32 $0xFFFFFFF0, v6  }
0x16f: {  	v5 =	vor.u32 v5, v6  }
0x170: {  	v6 =	vperm.xlane v5, v1;
	_ =	sdelay $0x1  }
0x171: {  	v5 =	vperm.xlane v5, v3;
	v6 =	vadd.s32 v2, v6;
	_ =	sdelay $0x1  }
0x172: {  	v5 =	vadd.s32 v2, v5;
	_ =	sdelay $0x2  }
0x173: {  	[tilespmem:s23], [sflag:$0x1] =	stream.indirect_vreg.gather [hbm4b:s1+s3], $0x80, v6, vm0, $0xb8;
	[tilespmem:$0xA080] =	vst v63  }
0x174: {  	_ = 	snop  }
0x175: {  	[tilespmem:s24], [sflag:$0x1] =	stream.indirect_vreg.gather [hbm4b:s1+s3], $0x80, v5, vm0, $0xb8;
	[tilespmem:$0xA080] =	vst v63  }
0x176: {  	v5 =	vld [tilespmem:$0x10];
	_ =	sdelay $0x4  }
0x177: {  	v6 =	vshll.u32 v5, $0x1  }
0x178: {  	v5 =	vand.u32 $0x7, v5;
	v6 =	vand.u32 $0xFFFFFFF0, v6  }
0x179: {  	v5 =	vor.u32 v5, v6  }
0x17a: {  	v6 =	vperm.xlane v5, v1;
	_ =	sdelay $0x1  }
0x17b: {  	v5 =	vperm.xlane v5, v3;
	v6 =	vadd.s32 v2, v6;
	_ =	sdelay $0x1  }
0x17c: {  	v5 =	vadd.s32 v2, v5;
	_ =	sdelay $0x2  }
0x17d: {  	[tilespmem:s25], [sflag:$0x1] =	stream.indirect_vreg.gather [hbm4b:s1+s3], $0x80, v6, vm0, $0xb8;
	[tilespmem:$0xA080] =	vst v63  }
0x17e: {  	_ = 	snop  }
0x17f: {  	[tilespmem:s26], [sflag:$0x1] =	stream.indirect_vreg.gather [hbm4b:s1+s3], $0x80, v5, vm0, $0xb8;
	[tilespmem:$0xA080] =	vst v63  }
0x180: {  	v5 =	vld [tilespmem:$0x20];
	_ =	sdelay $0x4  }
0x181: {  	v6 =	vshll.u32 v5, $0x1  }
0x182: {  	v5 =	vand.u32 $0x7, v5;
	v6 =	vand.u32 $0xFFFFFFF0, v6  }
0x183: {  	v5 =	vor.u32 v5, v6  }
0x184: {  	v6 =	vperm.xlane v5, v1;
	_ =	sdelay $0x1  }
0x185: {  	v5 =	vperm.xlane v5, v3;
	v6 =	vadd.s32 v2, v6;
	_ =	sdelay $0x1  }
0x186: {  	v5 =	vadd.s32 v2, v5;
	_ =	sdelay $0x2  }
0x187: {  	[tilespmem:s28], [sflag:$0x1] =	stream.indirect_vreg.gather [hbm4b:s1+s3], $0x80, v6, vm0, $0xb8;
	[tilespmem:$0xA080] =	vst v63  }
0x188: {  	_ = 	snop  }
0x189: {  	[tilespmem:s29], [sflag:$0x1] =	stream.indirect_vreg.gather [hbm4b:s1+s3], $0x80, v5, vm0, $0xb8;
	[tilespmem:$0xA080] =	vst v63  }
0x18a: {  	v5 =	vld [tilespmem:$0x30];
	_ =	sdelay $0x4  }
0x18b: {  	v6 =	vshll.u32 v5, $0x1  }
0x18c: {  	v5 =	vand.u32 $0x7, v5;
	v6 =	vand.u32 $0xFFFFFFF0, v6  }
0x18d: {  	v5 =	vor.u32 v5, v6  }
0x18e: {  	v6 =	vperm.xlane v5, v1;
	_ =	sdelay $0x1  }
0x18f: {  	v5 =	vperm.xlane v5, v3;
	v6 =	vadd.s32 v2, v6;
	_ =	sdelay $0x1  }
0x190: {  	v5 =	vadd.s32 v2, v5;
	_ =	sdelay $0x2  }
0x191: {  	[tilespmem:s30], [sflag:$0x1] =	stream.indirect_vreg.gather [hbm4b:s1+s3], $0x80, v6, vm0, $0xb8;
	[tilespmem:$0xA080] =	vst v63  }
0x192: {  	_ = 	snop  }
0x193: {  	[tilespmem:s31], [sflag:$0x1] =	stream.indirect_vreg.gather [hbm4b:s1+s3], $0x80, v5, vm0, $0xb8;
	[tilespmem:$0xA080] =	vst v63  }
0x194: {  	v5 =	vld [tilespmem:$0x40];
	_ =	sdelay $0x4  }
0x195: {  	v6 =	vshll.u32 v5, $0x1  }
0x196: {  	v5 =	vand.u32 $0x7, v5;
	v6 =	vand.u32 $0xFFFFFFF0, v6  }
0x197: {  	v5 =	vor.u32 v5, v6  }
0x198: {  	v6 =	vperm.xlane v5, v1;
	_ =	sdelay $0x1  }
0x199: {  	v5 =	vperm.xlane v5, v3;
	v6 =	vadd.s32 v2, v6;
	_ =	sdelay $0x1  }
0x19a: {  	v5 =	vadd.s32 v2, v5;
	_ =	sdelay $0x2  }
0x19b: {  	[tilespmem:s2], [sflag:$0x1] =	stream.indirect_vreg.gather [hbm4b:s1+s3], $0x80, v6, vm0, $0xb8;
	[tilespmem:$0xA080] =	vst v63  }
0x19c: {  	_ = 	snop  }
0x19d: {  	[tilespmem:s0], [sflag:$0x1] =	stream.indirect_vreg.gather [hbm4b:s1+s3], $0x80, v5, vm0, $0xb8;
	[tilespmem:$0xA080] =	vst v63  }
0x19e: {  	v5 =	vld [tilespmem:$0x50];
	_ =	sdelay $0x4  }
0x19f: {  	v6 =	vshll.u32 v5, $0x1  }
0x1a0: {  	v5 =	vand.u32 $0x7, v5;
	v6 =	vand.u32 $0xFFFFFFF0, v6  }
0x1a1: {  	v5 =	vor.u32 v5, v6  }
0x1a2: {  	v6 =	vperm.xlane v5, v1;
	_ =	sdelay $0x1  }
0x1a3: {  	v5 =	vperm.xlane v5, v3;
	v6 =	vadd.s32 v2, v6;
	_ =	sdelay $0x1  }
0x1a4: {  	v5 =	vadd.s32 v2, v5;
	_ =	sdelay $0x2  }
0x1a5: {  	[tilespmem:s4], [sflag:$0x1] =	stream.indirect_vreg.gather [hbm4b:s1+s3], $0x80, v6, vm0, $0xb8;
	[tilespmem:$0xA080] =	vst v63  }
0x1a6: {  	_ = 	snop  }
0x1a7: {  	[tilespmem:s5], [sflag:$0x1] =	stream.indirect_vreg.gather [hbm4b:s1+s3], $0x80, v5, vm0, $0xb8;
	[tilespmem:$0xA080] =	vst v63  }
0x1a8: {  	v5 =	vld [tilespmem:$0x60];
	_ =	sdelay $0x4  }
0x1a9: {  	v6 =	vshll.u32 v5, $0x1  }
0x1aa: {  	v5 =	vand.u32 $0x7, v5;
	v6 =	vand.u32 $0xFFFFFFF0, v6  }
0x1ab: {  	v5 =	vor.u32 v5, v6  }
0x1ac: {  	v6 =	vperm.xlane v5, v1;
	_ =	sdelay $0x1  }
0x1ad: {  	v5 =	vperm.xlane v5, v3;
	v6 =	vadd.s32 v2, v6;
	_ =	sdelay $0x1  }
0x1ae: {  	v5 =	vadd.s32 v2, v5;
	_ =	sdelay $0x2  }
0x1af: {  	[tilespmem:s6], [sflag:$0x1] =	stream.indirect_vreg.gather [hbm4b:s1+s3], $0x80, v6, vm0, $0xb8;
	[tilespmem:$0xA080] =	vst v63  }
0x1b0: {  	_ = 	snop  }
0x1b1: {  	[tilespmem:s7], [sflag:$0x1] =	stream.indirect_vreg.gather [hbm4b:s1+s3], $0x80, v5, vm0, $0xb8;
	[tilespmem:$0xA080] =	vst v63  }
0x1b2: {  	v5 =	vld [tilespmem:$0x70];
	_ =	sdelay $0x4  }
0x1b3: {  	v6 =	vshll.u32 v5, $0x1  }
0x1b4: {  	v5 =	vand.u32 $0x7, v5;
	v6 =	vand.u32 $0xFFFFFFF0, v6  }
0x1b5: {  	v5 =	vor.u32 v5, v6  }
0x1b6: {  	v6 =	vperm.xlane v5, v1;
	_ =	sdelay $0x1  }
0x1b7: {  	v5 =	vperm.xlane v5, v3;
	v6 =	vadd.s32 v2, v6;
	_ =	sdelay $0x1  }
0x1b8: {  	v5 =	vadd.s32 v2, v5;
	_ =	sdelay $0x2  }
0x1b9: {  	[tilespmem:s8], [sflag:$0x1] =	stream.indirect_vreg.gather [hbm4b:s1+s3], $0x80, v6, vm0, $0xb8;
	[tilespmem:$0xA080] =	vst v63  }
0x1ba: {  	_ = 	snop  }
0x1bb: {  	[tilespmem:s9], [sflag:$0x1] =	stream.indirect_vreg.gather [hbm4b:s1+s3], $0x80, v5, vm0, $0xb8;
	[tilespmem:$0xA080] =	vst v63  }
0x1bc: {  	_ =	swait.ge [sflag:s10], $0x8000  }
0x1bd: {  	[sflag:s10] =	ssyncset.done $0x0  }
0x1be: {  	s14 =	rddreg [dreg:$0xb];
	[sflag:s10] =	ssyncadd.s32 $0xFFFF8000  }
0x1bf: {  	[hbm4b:s14+s3] =	stream.linear.scatter [tilespmem:s23], [sflag:$0x2], $0x8000, $0x38;
	[tilespmem:$0xA080] =	vst v63  }
0x1c0: {  	_ =	swait.ge [sflag:s22], $0x8000  }
0x1c1: {  	[sflag:s22] =	ssyncset.done $0x0  }
0x1c2: {  	[sflag:s22] =	ssyncadd.s32 $0xFFFF8000  }
0x1c3: {  	v5 =	vld [tilespmem:$0x0];
	_ =	sdelay $0x7  }
0x1c4: {  	[tilespmem:v5+s11+$0x0] =	vst.idx.add.f32.msk $0xffff, v4  }
0x1c5: {  	v5 =	vld [tilespmem:$0x10];
	_ =	sdelay $0x7  }
0x1c6: {  	[tilespmem:v5+s11+$0x0] =	vst.idx.add.f32.msk $0xffff, v4  }
0x1c7: {  	v5 =	vld [tilespmem:$0x20];
	_ =	sdelay $0x7  }
0x1c8: {  	[tilespmem:v5+s11+$0x0] =	vst.idx.add.f32.msk $0xffff, v4  }
0x1c9: {  	v5 =	vld [tilespmem:$0x30];
	_ =	sdelay $0x7  }
0x1ca: {  	[tilespmem:v5+s11+$0x0] =	vst.idx.add.f32.msk $0xffff, v4  }
0x1cb: {  	v5 =	vld [tilespmem:$0x40];
	_ =	sdelay $0x7  }
0x1cc: {  	[tilespmem:v5+s11+$0x0] =	vst.idx.add.f32.msk $0xffff, v4  }
0x1cd: {  	v5 =	vld [tilespmem:$0x50];
	_ =	sdelay $0x7  }
0x1ce: {  	[tilespmem:v5+s11+$0x0] =	vst.idx.add.f32.msk $0xffff, v4  }
0x1cf: {  	v5 =	vld [tilespmem:$0x60];
	_ =	sdelay $0x7  }
0x1d0: {  	[tilespmem:v5+s11+$0x0] =	vst.idx.add.f32.msk $0xffff, v4  }
0x1d1: {  	v5 =	vld [tilespmem:$0x70];
	_ =	sdelay $0x7  }
0x1d2: {  	s14 =	rddreg [dreg:$0xc];
	[tilespmem:v5+s11+$0x0] =	vst.idx.add.f32.msk $0xffff, v4  }
0x1d3: {  	[tilespmem:s3], [sflag:$0x2] =	stream.linear.gather [hbm4b:s14+s3], $0x80, $0x38;
	[tilespmem:$0xA080] =	vst v63  }
0x1d4: {  	_ =	swait.ge [sflag:s22], $0x80  }
0x1d5: {  	[sflag:s22] =	ssyncset.done $0x0  }
0x1d6: {  	[sflag:s22] =	ssyncadd.s32 $0xFFFFFF80  }
0x1d7: {  	v5 =	vld [tilespmem:$0x0];
	_ =	sdelay $0x4  }
0x1d8: {  	v6 =	vshll.u32 v5, $0x1  }
0x1d9: {  	v5 =	vand.u32 $0x7, v5;
	v6 =	vand.u32 $0xFFFFFFF0, v6  }
0x1da: {  	v5 =	vor.u32 v5, v6  }
0x1db: {  	v6 =	vperm.xlane v5, v1;
	_ =	sdelay $0x1  }
0x1dc: {  	v5 =	vperm.xlane v5, v3;
	v6 =	vadd.s32 v2, v6;
	_ =	sdelay $0x1  }
0x1dd: {  	v5 =	vadd.s32 v2, v5;
	_ =	sdelay $0x2  }
0x1de: {  	[tilespmem:s23], [sflag:$0x1] =	stream.indirect_vreg.gather [hbm4b:s1+s3], $0x80, v6, vm0, $0xb8;
	[tilespmem:$0xA080] =	vst v63  }
0x1df: {  	_ = 	snop  }
0x1e0: {  	[tilespmem:s24], [sflag:$0x1] =	stream.indirect_vreg.gather [hbm4b:s1+s3], $0x80, v5, vm0, $0xb8;
	[tilespmem:$0xA080] =	vst v63  }
0x1e1: {  	v5 =	vld [tilespmem:$0x10];
	_ =	sdelay $0x4  }
0x1e2: {  	v6 =	vshll.u32 v5, $0x1  }
0x1e3: {  	v5 =	vand.u32 $0x7, v5;
	v6 =	vand.u32 $0xFFFFFFF0, v6  }
0x1e4: {  	v5 =	vor.u32 v5, v6  }
0x1e5: {  	v6 =	vperm.xlane v5, v1;
	_ =	sdelay $0x1  }
0x1e6: {  	v5 =	vperm.xlane v5, v3;
	v6 =	vadd.s32 v2, v6;
	_ =	sdelay $0x1  }
0x1e7: {  	v5 =	vadd.s32 v2, v5;
	_ =	sdelay $0x2  }
0x1e8: {  	[tilespmem:s25], [sflag:$0x1] =	stream.indirect_vreg.gather [hbm4b:s1+s3], $0x80, v6, vm0, $0xb8;
	[tilespmem:$0xA080] =	vst v63  }
0x1e9: {  	_ = 	snop  }
0x1ea: {  	[tilespmem:s26], [sflag:$0x1] =	stream.indirect_vreg.gather [hbm4b:s1+s3], $0x80, v5, vm0, $0xb8;
	[tilespmem:$0xA080] =	vst v63  }
0x1eb: {  	v5 =	vld [tilespmem:$0x20];
	_ =	sdelay $0x4  }
0x1ec: {  	v6 =	vshll.u32 v5, $0x1  }
0x1ed: {  	v5 =	vand.u32 $0x7, v5;
	v6 =	vand.u32 $0xFFFFFFF0, v6  }
0x1ee: {  	v5 =	vor.u32 v5, v6  }
0x1ef: {  	v6 =	vperm.xlane v5, v1;
	_ =	sdelay $0x1  }
0x1f0: {  	v5 =	vperm.xlane v5, v3;
	v6 =	vadd.s32 v2, v6;
	_ =	sdelay $0x1  }
0x1f1: {  	v5 =	vadd.s32 v2, v5;
	_ =	sdelay $0x2  }
0x1f2: {  	[tilespmem:s28], [sflag:$0x1] =	stream.indirect_vreg.gather [hbm4b:s1+s3], $0x80, v6, vm0, $0xb8;
	[tilespmem:$0xA080] =	vst v63  }
0x1f3: {  	_ = 	snop  }
0x1f4: {  	[tilespmem:s29], [sflag:$0x1] =	stream.indirect_vreg.gather [hbm4b:s1+s3], $0x80, v5, vm0, $0xb8;
	[tilespmem:$0xA080] =	vst v63  }
0x1f5: {  	v5 =	vld [tilespmem:$0x30];
	_ =	sdelay $0x4  }
0x1f6: {  	v6 =	vshll.u32 v5, $0x1  }
0x1f7: {  	v5 =	vand.u32 $0x7, v5;
	v6 =	vand.u32 $0xFFFFFFF0, v6  }
0x1f8: {  	v5 =	vor.u32 v5, v6  }
0x1f9: {  	v6 =	vperm.xlane v5, v1;
	_ =	sdelay $0x1  }
0x1fa: {  	v5 =	vperm.xlane v5, v3;
	v6 =	vadd.s32 v2, v6;
	_ =	sdelay $0x1  }
0x1fb: {  	v5 =	vadd.s32 v2, v5;
	_ =	sdelay $0x2  }
0x1fc: {  	[tilespmem:s30], [sflag:$0x1] =	stream.indirect_vreg.gather [hbm4b:s1+s3], $0x80, v6, vm0, $0xb8;
	[tilespmem:$0xA080] =	vst v63  }
0x1fd: {  	_ = 	snop  }
0x1fe: {  	[tilespmem:s31], [sflag:$0x1] =	stream.indirect_vreg.gather [hbm4b:s1+s3], $0x80, v5, vm0, $0xb8;
	[tilespmem:$0xA080] =	vst v63  }
0x1ff: {  	v5 =	vld [tilespmem:$0x40];
	_ =	sdelay $0x4  }
0x200: {  	v6 =	vshll.u32 v5, $0x1  }
0x201: {  	v5 =	vand.u32 $0x7, v5;
	v6 =	vand.u32 $0xFFFFFFF0, v6  }
0x202: {  	v5 =	vor.u32 v5, v6  }
0x203: {  	v6 =	vperm.xlane v5, v1;
	_ =	sdelay $0x1  }
0x204: {  	v5 =	vperm.xlane v5, v3;
	v6 =	vadd.s32 v2, v6;
	_ =	sdelay $0x1  }
0x205: {  	v5 =	vadd.s32 v2, v5;
	_ =	sdelay $0x2  }
0x206: {  	[tilespmem:s2], [sflag:$0x1] =	stream.indirect_vreg.gather [hbm4b:s1+s3], $0x80, v6, vm0, $0xb8;
	[tilespmem:$0xA080] =	vst v63  }
0x207: {  	_ = 	snop  }
0x208: {  	[tilespmem:s0], [sflag:$0x1] =	stream.indirect_vreg.gather [hbm4b:s1+s3], $0x80, v5, vm0, $0xb8;
	[tilespmem:$0xA080] =	vst v63  }
0x209: {  	v5 =	vld [tilespmem:$0x50];
	_ =	sdelay $0x4  }
0x20a: {  	v6 =	vshll.u32 v5, $0x1  }
0x20b: {  	v5 =	vand.u32 $0x7, v5;
	v6 =	vand.u32 $0xFFFFFFF0, v6  }
0x20c: {  	v5 =	vor.u32 v5, v6  }
0x20d: {  	v6 =	vperm.xlane v5, v1;
	_ =	sdelay $0x1  }
0x20e: {  	v5 =	vperm.xlane v5, v3;
	v6 =	vadd.s32 v2, v6;
	_ =	sdelay $0x1  }
0x20f: {  	v5 =	vadd.s32 v2, v5;
	_ =	sdelay $0x2  }
0x210: {  	[tilespmem:s4], [sflag:$0x1] =	stream.indirect_vreg.gather [hbm4b:s1+s3], $0x80, v6, vm0, $0xb8;
	[tilespmem:$0xA080] =	vst v63  }
0x211: {  	_ = 	snop  }
0x212: {  	[tilespmem:s5], [sflag:$0x1] =	stream.indirect_vreg.gather [hbm4b:s1+s3], $0x80, v5, vm0, $0xb8;
	[tilespmem:$0xA080] =	vst v63  }
0x213: {  	v5 =	vld [tilespmem:$0x60];
	_ =	sdelay $0x4  }
0x214: {  	v6 =	vshll.u32 v5, $0x1  }
0x215: {  	v5 =	vand.u32 $0x7, v5;
	v6 =	vand.u32 $0xFFFFFFF0, v6  }
0x216: {  	v5 =	vor.u32 v5, v6  }
0x217: {  	v6 =	vperm.xlane v5, v1;
	_ =	sdelay $0x1  }
0x218: {  	v5 =	vperm.xlane v5, v3;
	v6 =	vadd.s32 v2, v6;
	_ =	sdelay $0x1  }
0x219: {  	v5 =	vadd.s32 v2, v5;
	_ =	sdelay $0x2  }
0x21a: {  	[tilespmem:s6], [sflag:$0x1] =	stream.indirect_vreg.gather [hbm4b:s1+s3], $0x80, v6, vm0, $0xb8;
	[tilespmem:$0xA080] =	vst v63  }
0x21b: {  	_ = 	snop  }
0x21c: {  	[tilespmem:s7], [sflag:$0x1] =	stream.indirect_vreg.gather [hbm4b:s1+s3], $0x80, v5, vm0, $0xb8;
	[tilespmem:$0xA080] =	vst v63  }
0x21d: {  	v5 =	vld [tilespmem:$0x70];
	_ =	sdelay $0x4  }
0x21e: {  	v6 =	vshll.u32 v5, $0x1  }
0x21f: {  	v5 =	vand.u32 $0x7, v5;
	v6 =	vand.u32 $0xFFFFFFF0, v6  }
0x220: {  	v5 =	vor.u32 v5, v6  }
0x221: {  	v6 =	vperm.xlane v5, v1;
	_ =	sdelay $0x1  }
0x222: {  	v5 =	vperm.xlane v5, v3;
	v6 =	vadd.s32 v2, v6;
	_ =	sdelay $0x1  }
0x223: {  	v5 =	vadd.s32 v2, v5;
	_ =	sdelay $0x2  }
0x224: {  	[tilespmem:s8], [sflag:$0x1] =	stream.indirect_vreg.gather [hbm4b:s1+s3], $0x80, v6, vm0, $0xb8;
	[tilespmem:$0xA080] =	vst v63  }
0x225: {  	_ = 	snop  }
0x226: {  	[tilespmem:s9], [sflag:$0x1] =	stream.indirect_vreg.gather [hbm4b:s1+s3], $0x80, v5, vm0, $0xb8;
	[tilespmem:$0xA080] =	vst v63  }
0x227: {  	_ =	swait.ge [sflag:s10], $0x8000  }
0x228: {  	[sflag:s10] =	ssyncset.done $0x0  }
0x229: {  	s14 =	rddreg [dreg:$0xd];
	[sflag:s10] =	ssyncadd.s32 $0xFFFF8000  }
0x22a: {  	[hbm4b:s14+s3] =	stream.linear.scatter [tilespmem:s23], [sflag:$0x2], $0x8000, $0x38;
	[tilespmem:$0xA080] =	vst v63  }
0x22b: {  	_ =	swait.ge [sflag:s22], $0x8000  }
0x22c: {  	[sflag:s22] =	ssyncset.done $0x0  }
0x22d: {  	[sflag:s22] =	ssyncadd.s32 $0xFFFF8000  }
0x22e: {  	v5 =	vld [tilespmem:$0x0];
	_ =	sdelay $0x7  }
0x22f: {  	[tilespmem:v5+s11+$0x0] =	vst.idx.add.f32.msk $0xffff, v4  }
0x230: {  	v5 =	vld [tilespmem:$0x10];
	_ =	sdelay $0x7  }
0x231: {  	[tilespmem:v5+s11+$0x0] =	vst.idx.add.f32.msk $0xffff, v4  }
0x232: {  	v5 =	vld [tilespmem:$0x20];
	_ =	sdelay $0x7  }
0x233: {  	[tilespmem:v5+s11+$0x0] =	vst.idx.add.f32.msk $0xffff, v4  }
0x234: {  	v5 =	vld [tilespmem:$0x30];
	_ =	sdelay $0x7  }
0x235: {  	[tilespmem:v5+s11+$0x0] =	vst.idx.add.f32.msk $0xffff, v4  }
0x236: {  	v5 =	vld [tilespmem:$0x40];
	_ =	sdelay $0x7  }
0x237: {  	[tilespmem:v5+s11+$0x0] =	vst.idx.add.f32.msk $0xffff, v4  }
0x238: {  	v5 =	vld [tilespmem:$0x50];
	_ =	sdelay $0x7  }
0x239: {  	[tilespmem:v5+s11+$0x0] =	vst.idx.add.f32.msk $0xffff, v4  }
0x23a: {  	v5 =	vld [tilespmem:$0x60];
	_ =	sdelay $0x7  }
0x23b: {  	[tilespmem:v5+s11+$0x0] =	vst.idx.add.f32.msk $0xffff, v4  }
0x23c: {  	v5 =	vld [tilespmem:$0x70];
	_ =	sdelay $0x7  }
0x23d: {  	s14 =	rddreg [dreg:$0xe];
	[tilespmem:v5+s11+$0x0] =	vst.idx.add.f32.msk $0xffff, v4  }
0x23e: {  	[tilespmem:s3], [sflag:$0x2] =	stream.linear.gather [hbm4b:s14+s3], $0x80, $0x38;
	[tilespmem:$0xA080] =	vst v63  }
0x23f: {  	_ =	swait.ge [sflag:s22], $0x80  }
0x240: {  	[sflag:s22] =	ssyncset.done $0x0  }
0x241: {  	[sflag:s22] =	ssyncadd.s32 $0xFFFFFF80  }
0x242: {  	v5 =	vld [tilespmem:$0x0];
	_ =	sdelay $0x4  }
0x243: {  	v6 =	vshll.u32 v5, $0x1  }
0x244: {  	v5 =	vand.u32 $0x7, v5;
	v6 =	vand.u32 $0xFFFFFFF0, v6  }
0x245: {  	v5 =	vor.u32 v5, v6  }
0x246: {  	v6 =	vperm.xlane v5, v1;
	_ =	sdelay $0x1  }
0x247: {  	v5 =	vperm.xlane v5, v3;
	v6 =	vadd.s32 v2, v6;
	_ =	sdelay $0x1  }
0x248: {  	v5 =	vadd.s32 v2, v5;
	_ =	sdelay $0x2  }
0x249: {  	[tilespmem:s23], [sflag:$0x1] =	stream.indirect_vreg.gather [hbm4b:s1+s3], $0x80, v6, vm0, $0xb8;
	[tilespmem:$0xA080] =	vst v63  }
0x24a: {  	_ = 	snop  }
0x24b: {  	[tilespmem:s24], [sflag:$0x1] =	stream.indirect_vreg.gather [hbm4b:s1+s3], $0x80, v5, vm0, $0xb8;
	[tilespmem:$0xA080] =	vst v63  }
0x24c: {  	v5 =	vld [tilespmem:$0x10];
	_ =	sdelay $0x4  }
0x24d: {  	v6 =	vshll.u32 v5, $0x1  }
0x24e: {  	v5 =	vand.u32 $0x7, v5;
	v6 =	vand.u32 $0xFFFFFFF0, v6  }
0x24f: {  	v5 =	vor.u32 v5, v6  }
0x250: {  	v6 =	vperm.xlane v5, v1;
	_ =	sdelay $0x1  }
0x251: {  	v5 =	vperm.xlane v5, v3;
	v6 =	vadd.s32 v2, v6;
	_ =	sdelay $0x1  }
0x252: {  	v5 =	vadd.s32 v2, v5;
	_ =	sdelay $0x2  }
0x253: {  	[tilespmem:s25], [sflag:$0x1] =	stream.indirect_vreg.gather [hbm4b:s1+s3], $0x80, v6, vm0, $0xb8;
	[tilespmem:$0xA080] =	vst v63  }
0x254: {  	_ = 	snop  }
0x255: {  	[tilespmem:s26], [sflag:$0x1] =	stream.indirect_vreg.gather [hbm4b:s1+s3], $0x80, v5, vm0, $0xb8;
	[tilespmem:$0xA080] =	vst v63  }
0x256: {  	v5 =	vld [tilespmem:$0x20];
	_ =	sdelay $0x4  }
0x257: {  	v6 =	vshll.u32 v5, $0x1  }
0x258: {  	v5 =	vand.u32 $0x7, v5;
	v6 =	vand.u32 $0xFFFFFFF0, v6  }
0x259: {  	v5 =	vor.u32 v5, v6  }
0x25a: {  	v6 =	vperm.xlane v5, v1;
	_ =	sdelay $0x1  }
0x25b: {  	v5 =	vperm.xlane v5, v3;
	v6 =	vadd.s32 v2, v6;
	_ =	sdelay $0x1  }
0x25c: {  	v5 =	vadd.s32 v2, v5;
	_ =	sdelay $0x2  }
0x25d: {  	[tilespmem:s28], [sflag:$0x1] =	stream.indirect_vreg.gather [hbm4b:s1+s3], $0x80, v6, vm0, $0xb8;
	[tilespmem:$0xA080] =	vst v63  }
0x25e: {  	_ = 	snop  }
0x25f: {  	[tilespmem:s29], [sflag:$0x1] =	stream.indirect_vreg.gather [hbm4b:s1+s3], $0x80, v5, vm0, $0xb8;
	[tilespmem:$0xA080] =	vst v63  }
0x260: {  	v5 =	vld [tilespmem:$0x30];
	_ =	sdelay $0x4  }
0x261: {  	v6 =	vshll.u32 v5, $0x1  }
0x262: {  	v5 =	vand.u32 $0x7, v5;
	v6 =	vand.u32 $0xFFFFFFF0, v6  }
0x263: {  	v5 =	vor.u32 v5, v6  }
0x264: {  	v6 =	vperm.xlane v5, v1;
	_ =	sdelay $0x1  }
0x265: {  	v5 =	vperm.xlane v5, v3;
	v6 =	vadd.s32 v2, v6;
	_ =	sdelay $0x1  }
0x266: {  	v5 =	vadd.s32 v2, v5;
	_ =	sdelay $0x2  }
0x267: {  	[tilespmem:s30], [sflag:$0x1] =	stream.indirect_vreg.gather [hbm4b:s1+s3], $0x80, v6, vm0, $0xb8;
	[tilespmem:$0xA080] =	vst v63  }
0x268: {  	_ = 	snop  }
0x269: {  	[tilespmem:s31], [sflag:$0x1] =	stream.indirect_vreg.gather [hbm4b:s1+s3], $0x80, v5, vm0, $0xb8;
	[tilespmem:$0xA080] =	vst v63  }
0x26a: {  	v5 =	vld [tilespmem:$0x40];
	_ =	sdelay $0x4  }
0x26b: {  	v6 =	vshll.u32 v5, $0x1  }
0x26c: {  	v5 =	vand.u32 $0x7, v5;
	v6 =	vand.u32 $0xFFFFFFF0, v6  }
0x26d: {  	v5 =	vor.u32 v5, v6  }
0x26e: {  	v6 =	vperm.xlane v5, v1;
	_ =	sdelay $0x1  }
0x26f: {  	v5 =	vperm.xlane v5, v3;
	v6 =	vadd.s32 v2, v6;
	_ =	sdelay $0x1  }
0x270: {  	v5 =	vadd.s32 v2, v5;
	_ =	sdelay $0x2  }
0x271: {  	[tilespmem:s2], [sflag:$0x1] =	stream.indirect_vreg.gather [hbm4b:s1+s3], $0x80, v6, vm0, $0xb8;
	[tilespmem:$0xA080] =	vst v63  }
0x272: {  	_ = 	snop  }
0x273: {  	[tilespmem:s0], [sflag:$0x1] =	stream.indirect_vreg.gather [hbm4b:s1+s3], $0x80, v5, vm0, $0xb8;
	[tilespmem:$0xA080] =	vst v63  }
0x274: {  	v5 =	vld [tilespmem:$0x50];
	_ =	sdelay $0x4  }
0x275: {  	v6 =	vshll.u32 v5, $0x1  }
0x276: {  	v5 =	vand.u32 $0x7, v5;
	v6 =	vand.u32 $0xFFFFFFF0, v6  }
0x277: {  	v5 =	vor.u32 v5, v6  }
0x278: {  	v6 =	vperm.xlane v5, v1;
	_ =	sdelay $0x1  }
0x279: {  	v5 =	vperm.xlane v5, v3;
	v6 =	vadd.s32 v2, v6;
	_ =	sdelay $0x1  }
0x27a: {  	v5 =	vadd.s32 v2, v5;
	_ =	sdelay $0x2  }
0x27b: {  	[tilespmem:s4], [sflag:$0x1] =	stream.indirect_vreg.gather [hbm4b:s1+s3], $0x80, v6, vm0, $0xb8;
	[tilespmem:$0xA080] =	vst v63  }
0x27c: {  	_ = 	snop  }
0x27d: {  	[tilespmem:s5], [sflag:$0x1] =	stream.indirect_vreg.gather [hbm4b:s1+s3], $0x80, v5, vm0, $0xb8;
	[tilespmem:$0xA080] =	vst v63  }
0x27e: {  	v5 =	vld [tilespmem:$0x60];
	_ =	sdelay $0x4  }
0x27f: {  	v6 =	vshll.u32 v5, $0x1  }
0x280: {  	v5 =	vand.u32 $0x7, v5;
	v6 =	vand.u32 $0xFFFFFFF0, v6  }
0x281: {  	v5 =	vor.u32 v5, v6  }
0x282: {  	v6 =	vperm.xlane v5, v1;
	_ =	sdelay $0x1  }
0x283: {  	v5 =	vperm.xlane v5, v3;
	v6 =	vadd.s32 v2, v6;
	_ =	sdelay $0x1  }
0x284: {  	v5 =	vadd.s32 v2, v5;
	_ =	sdelay $0x2  }
0x285: {  	[tilespmem:s6], [sflag:$0x1] =	stream.indirect_vreg.gather [hbm4b:s1+s3], $0x80, v6, vm0, $0xb8;
	[tilespmem:$0xA080] =	vst v63  }
0x286: {  	_ = 	snop  }
0x287: {  	[tilespmem:s7], [sflag:$0x1] =	stream.indirect_vreg.gather [hbm4b:s1+s3], $0x80, v5, vm0, $0xb8;
	[tilespmem:$0xA080] =	vst v63  }
0x288: {  	v5 =	vld [tilespmem:$0x70];
	_ =	sdelay $0x4  }
0x289: {  	v6 =	vshll.u32 v5, $0x1  }
0x28a: {  	v5 =	vand.u32 $0x7, v5;
	v6 =	vand.u32 $0xFFFFFFF0, v6  }
0x28b: {  	v5 =	vor.u32 v5, v6  }
0x28c: {  	v6 =	vperm.xlane v5, v1;
	_ =	sdelay $0x1  }
0x28d: {  	v5 =	vperm.xlane v5, v3;
	v6 =	vadd.s32 v2, v6;
	_ =	sdelay $0x1  }
0x28e: {  	v5 =	vadd.s32 v2, v5;
	_ =	sdelay $0x2  }
0x28f: {  	[tilespmem:s8], [sflag:$0x1] =	stream.indirect_vreg.gather [hbm4b:s1+s3], $0x80, v6, vm0, $0xb8;
	[tilespmem:$0xA080] =	vst v63  }
0x290: {  	_ = 	snop  }
0x291: {  	[tilespmem:s9], [sflag:$0x1] =	stream.indirect_vreg.gather [hbm4b:s1+s3], $0x80, v5, vm0, $0xb8;
	[tilespmem:$0xA080] =	vst v63  }
0x292: {  	_ =	swait.ge [sflag:s10], $0x8000  }
0x293: {  	[sflag:s10] =	ssyncset.done $0x0  }
0x294: {  	[sflag:s10] =	ssyncadd.s32 $0xFFFF8000  }
0x295: {  	[hbm4b:s15+s3] =	stream.linear.scatter [tilespmem:s23], [sflag:$0x2], $0x8000, $0x38;
	[tilespmem:$0xA080] =	vst v63  }
0x296: {  	_ =	swait.ge [sflag:s22], $0x8000  }
0x297: {  	[sflag:s22] =	ssyncset.done $0x0  }
0x298: {  	[sflag:s22] =	ssyncadd.s32 $0xFFFF8000  }
0x299: {  	v5 =	vld [tilespmem:$0x0];
	_ =	sdelay $0x7  }
0x29a: {  	[tilespmem:v5+s11+$0x0] =	vst.idx.add.f32.msk $0xffff, v4  }
0x29b: {  	v5 =	vld [tilespmem:$0x10];
	_ =	sdelay $0x7  }
0x29c: {  	[tilespmem:v5+s11+$0x0] =	vst.idx.add.f32.msk $0xffff, v4  }
0x29d: {  	v5 =	vld [tilespmem:$0x20];
	_ =	sdelay $0x7  }
0x29e: {  	[tilespmem:v5+s11+$0x0] =	vst.idx.add.f32.msk $0xffff, v4  }
0x29f: {  	v5 =	vld [tilespmem:$0x30];
	_ =	sdelay $0x7  }
0x2a0: {  	[tilespmem:v5+s11+$0x0] =	vst.idx.add.f32.msk $0xffff, v4  }
0x2a1: {  	v5 =	vld [tilespmem:$0x40];
	_ =	sdelay $0x7  }
0x2a2: {  	[tilespmem:v5+s11+$0x0] =	vst.idx.add.f32.msk $0xffff, v4  }
0x2a3: {  	v5 =	vld [tilespmem:$0x50];
	_ =	sdelay $0x7  }
0x2a4: {  	[tilespmem:v5+s11+$0x0] =	vst.idx.add.f32.msk $0xffff, v4  }
0x2a5: {  	v5 =	vld [tilespmem:$0x60];
	_ =	sdelay $0x7  }
0x2a6: {  	[tilespmem:v5+s11+$0x0] =	vst.idx.add.f32.msk $0xffff, v4  }
0x2a7: {  	v5 =	vld [tilespmem:$0x70];
	_ =	sdelay $0x7  }
0x2a8: {  	[tilespmem:v5+s11+$0x0] =	vst.idx.add.f32.msk $0xffff, v4  }
0x2a9: {  	[tilespmem:s3], [sflag:$0x2] =	stream.linear.gather [hbm4b:s16+s3], $0x80, $0x38;
	[tilespmem:$0xA080] =	vst v63  }
0x2aa: {  	_ =	swait.ge [sflag:s22], $0x80  }
0x2ab: {  	[sflag:s22] =	ssyncset.done $0x0  }
0x2ac: {  	[sflag:s22] =	ssyncadd.s32 $0xFFFFFF80  }
0x2ad: {  	v5 =	vld [tilespmem:$0x0];
	_ =	sdelay $0x4  }
0x2ae: {  	v6 =	vshll.u32 v5, $0x1  }
0x2af: {  	v5 =	vand.u32 $0x7, v5;
	v6 =	vand.u32 $0xFFFFFFF0, v6  }
0x2b0: {  	v5 =	vor.u32 v5, v6  }
0x2b1: {  	v6 =	vperm.xlane v5, v1;
	_ =	sdelay $0x1  }
0x2b2: {  	v5 =	vperm.xlane v5, v3;
	v6 =	vadd.s32 v2, v6;
	_ =	sdelay $0x1  }
0x2b3: {  	v5 =	vadd.s32 v2, v5;
	_ =	sdelay $0x2  }
0x2b4: {  	[tilespmem:s23], [sflag:$0x1] =	stream.indirect_vreg.gather [hbm4b:s1+s3], $0x80, v6, vm0, $0xb8;
	[tilespmem:$0xA080] =	vst v63  }
0x2b5: {  	_ = 	snop  }
0x2b6: {  	[tilespmem:s24], [sflag:$0x1] =	stream.indirect_vreg.gather [hbm4b:s1+s3], $0x80, v5, vm0, $0xb8;
	[tilespmem:$0xA080] =	vst v63  }
0x2b7: {  	v5 =	vld [tilespmem:$0x10];
	_ =	sdelay $0x4  }
0x2b8: {  	v6 =	vshll.u32 v5, $0x1  }
0x2b9: {  	v5 =	vand.u32 $0x7, v5;
	v6 =	vand.u32 $0xFFFFFFF0, v6  }
0x2ba: {  	v5 =	vor.u32 v5, v6  }
0x2bb: {  	v6 =	vperm.xlane v5, v1;
	_ =	sdelay $0x1  }
0x2bc: {  	v5 =	vperm.xlane v5, v3;
	v6 =	vadd.s32 v2, v6;
	_ =	sdelay $0x1  }
0x2bd: {  	v5 =	vadd.s32 v2, v5;
	_ =	sdelay $0x2  }
0x2be: {  	[tilespmem:s25], [sflag:$0x1] =	stream.indirect_vreg.gather [hbm4b:s1+s3], $0x80, v6, vm0, $0xb8;
	[tilespmem:$0xA080] =	vst v63  }
0x2bf: {  	_ = 	snop  }
0x2c0: {  	[tilespmem:s26], [sflag:$0x1] =	stream.indirect_vreg.gather [hbm4b:s1+s3], $0x80, v5, vm0, $0xb8;
	[tilespmem:$0xA080] =	vst v63  }
0x2c1: {  	v5 =	vld [tilespmem:$0x20];
	_ =	sdelay $0x4  }
0x2c2: {  	v6 =	vshll.u32 v5, $0x1  }
0x2c3: {  	v5 =	vand.u32 $0x7, v5;
	v6 =	vand.u32 $0xFFFFFFF0, v6  }
0x2c4: {  	v5 =	vor.u32 v5, v6  }
0x2c5: {  	v6 =	vperm.xlane v5, v1;
	_ =	sdelay $0x1  }
0x2c6: {  	v5 =	vperm.xlane v5, v3;
	v6 =	vadd.s32 v2, v6;
	_ =	sdelay $0x1  }
0x2c7: {  	v5 =	vadd.s32 v2, v5;
	_ =	sdelay $0x2  }
0x2c8: {  	[tilespmem:s28], [sflag:$0x1] =	stream.indirect_vreg.gather [hbm4b:s1+s3], $0x80, v6, vm0, $0xb8;
	[tilespmem:$0xA080] =	vst v63  }
0x2c9: {  	_ = 	snop  }
0x2ca: {  	[tilespmem:s29], [sflag:$0x1] =	stream.indirect_vreg.gather [hbm4b:s1+s3], $0x80, v5, vm0, $0xb8;
	[tilespmem:$0xA080] =	vst v63  }
0x2cb: {  	v5 =	vld [tilespmem:$0x30];
	_ =	sdelay $0x4  }
0x2cc: {  	v6 =	vshll.u32 v5, $0x1  }
0x2cd: {  	v5 =	vand.u32 $0x7, v5;
	v6 =	vand.u32 $0xFFFFFFF0, v6  }
0x2ce: {  	v5 =	vor.u32 v5, v6  }
0x2cf: {  	v6 =	vperm.xlane v5, v1;
	_ =	sdelay $0x1  }
0x2d0: {  	v5 =	vperm.xlane v5, v3;
	v6 =	vadd.s32 v2, v6;
	_ =	sdelay $0x1  }
0x2d1: {  	v5 =	vadd.s32 v2, v5;
	_ =	sdelay $0x2  }
0x2d2: {  	[tilespmem:s30], [sflag:$0x1] =	stream.indirect_vreg.gather [hbm4b:s1+s3], $0x80, v6, vm0, $0xb8;
	[tilespmem:$0xA080] =	vst v63  }
0x2d3: {  	_ = 	snop  }
0x2d4: {  	[tilespmem:s31], [sflag:$0x1] =	stream.indirect_vreg.gather [hbm4b:s1+s3], $0x80, v5, vm0, $0xb8;
	[tilespmem:$0xA080] =	vst v63  }
0x2d5: {  	v5 =	vld [tilespmem:$0x40];
	_ =	sdelay $0x4  }
0x2d6: {  	v6 =	vshll.u32 v5, $0x1  }
0x2d7: {  	v5 =	vand.u32 $0x7, v5;
	v6 =	vand.u32 $0xFFFFFFF0, v6  }
0x2d8: {  	v5 =	vor.u32 v5, v6  }
0x2d9: {  	v6 =	vperm.xlane v5, v1;
	_ =	sdelay $0x1  }
0x2da: {  	v5 =	vperm.xlane v5, v3;
	v6 =	vadd.s32 v2, v6;
	_ =	sdelay $0x1  }
0x2db: {  	v5 =	vadd.s32 v2, v5;
	_ =	sdelay $0x2  }
0x2dc: {  	[tilespmem:s2], [sflag:$0x1] =	stream.indirect_vreg.gather [hbm4b:s1+s3], $0x80, v6, vm0, $0xb8;
	[tilespmem:$0xA080] =	vst v63  }
0x2dd: {  	_ = 	snop  }
0x2de: {  	[tilespmem:s0], [sflag:$0x1] =	stream.indirect_vreg.gather [hbm4b:s1+s3], $0x80, v5, vm0, $0xb8;
	[tilespmem:$0xA080] =	vst v63  }
0x2df: {  	v5 =	vld [tilespmem:$0x50];
	_ =	sdelay $0x4  }
0x2e0: {  	v6 =	vshll.u32 v5, $0x1  }
0x2e1: {  	v5 =	vand.u32 $0x7, v5;
	v6 =	vand.u32 $0xFFFFFFF0, v6  }
0x2e2: {  	v5 =	vor.u32 v5, v6  }
0x2e3: {  	v6 =	vperm.xlane v5, v1;
	_ =	sdelay $0x1  }
0x2e4: {  	v5 =	vperm.xlane v5, v3;
	v6 =	vadd.s32 v2, v6;
	_ =	sdelay $0x1  }
0x2e5: {  	v5 =	vadd.s32 v2, v5;
	_ =	sdelay $0x2  }
0x2e6: {  	[tilespmem:s4], [sflag:$0x1] =	stream.indirect_vreg.gather [hbm4b:s1+s3], $0x80, v6, vm0, $0xb8;
	[tilespmem:$0xA080] =	vst v63  }
0x2e7: {  	_ = 	snop  }
0x2e8: {  	[tilespmem:s5], [sflag:$0x1] =	stream.indirect_vreg.gather [hbm4b:s1+s3], $0x80, v5, vm0, $0xb8;
	[tilespmem:$0xA080] =	vst v63  }
0x2e9: {  	v5 =	vld [tilespmem:$0x60];
	_ =	sdelay $0x4  }
0x2ea: {  	v6 =	vshll.u32 v5, $0x1  }
0x2eb: {  	v5 =	vand.u32 $0x7, v5;
	v6 =	vand.u32 $0xFFFFFFF0, v6  }
0x2ec: {  	v5 =	vor.u32 v5, v6  }
0x2ed: {  	v6 =	vperm.xlane v5, v1;
	_ =	sdelay $0x1  }
0x2ee: {  	v5 =	vperm.xlane v5, v3;
	v6 =	vadd.s32 v2, v6;
	_ =	sdelay $0x1  }
0x2ef: {  	v5 =	vadd.s32 v2, v5;
	_ =	sdelay $0x2  }
0x2f0: {  	[tilespmem:s6], [sflag:$0x1] =	stream.indirect_vreg.gather [hbm4b:s1+s3], $0x80, v6, vm0, $0xb8;
	[tilespmem:$0xA080] =	vst v63  }
0x2f1: {  	_ = 	snop  }
0x2f2: {  	[tilespmem:s7], [sflag:$0x1] =	stream.indirect_vreg.gather [hbm4b:s1+s3], $0x80, v5, vm0, $0xb8;
	[tilespmem:$0xA080] =	vst v63  }
0x2f3: {  	v5 =	vld [tilespmem:$0x70];
	_ =	sdelay $0x4  }
0x2f4: {  	v6 =	vshll.u32 v5, $0x1  }
0x2f5: {  	v5 =	vand.u32 $0x7, v5;
	v6 =	vand.u32 $0xFFFFFFF0, v6  }
0x2f6: {  	v5 =	vor.u32 v5, v6  }
0x2f7: {  	v6 =	vperm.xlane v5, v1;
	_ =	sdelay $0x1  }
0x2f8: {  	v5 =	vperm.xlane v5, v3;
	v6 =	vadd.s32 v2, v6;
	_ =	sdelay $0x1  }
0x2f9: {  	v5 =	vadd.s32 v2, v5;
	_ =	sdelay $0x2  }
0x2fa: {  	[tilespmem:s8], [sflag:$0x1] =	stream.indirect_vreg.gather [hbm4b:s1+s3], $0x80, v6, vm0, $0xb8;
	[tilespmem:$0xA080] =	vst v63  }
0x2fb: {  	_ = 	snop  }
0x2fc: {  	[tilespmem:s9], [sflag:$0x1] =	stream.indirect_vreg.gather [hbm4b:s1+s3], $0x80, v5, vm0, $0xb8;
	[tilespmem:$0xA080] =	vst v63  }
0x2fd: {  	_ =	swait.ge [sflag:s10], $0x8000  }
0x2fe: {  	[sflag:s10] =	ssyncset.done $0x0  }
0x2ff: {  	[sflag:s10] =	ssyncadd.s32 $0xFFFF8000  }
0x300: {  	[hbm4b:s17+s3] =	stream.linear.scatter [tilespmem:s23], [sflag:$0x2], $0x8000, $0x38;
	[tilespmem:$0xA080] =	vst v63  }
0x301: {  	_ =	swait.ge [sflag:s22], $0x8000  }
0x302: {  	[sflag:s22] =	ssyncset.done $0x0  }
0x303: {  	[sflag:s22] =	ssyncadd.s32 $0xFFFF8000  }
0x304: {  	v5 =	vld [tilespmem:$0x0];
	_ =	sdelay $0x7  }
0x305: {  	[tilespmem:v5+s11+$0x0] =	vst.idx.add.f32.msk $0xffff, v4  }
0x306: {  	v5 =	vld [tilespmem:$0x10];
	_ =	sdelay $0x7  }
0x307: {  	[tilespmem:v5+s11+$0x0] =	vst.idx.add.f32.msk $0xffff, v4  }
0x308: {  	v5 =	vld [tilespmem:$0x20];
	_ =	sdelay $0x7  }
0x309: {  	[tilespmem:v5+s11+$0x0] =	vst.idx.add.f32.msk $0xffff, v4  }
0x30a: {  	v5 =	vld [tilespmem:$0x30];
	_ =	sdelay $0x7  }
0x30b: {  	[tilespmem:v5+s11+$0x0] =	vst.idx.add.f32.msk $0xffff, v4  }
0x30c: {  	v5 =	vld [tilespmem:$0x40];
	_ =	sdelay $0x7  }
0x30d: {  	[tilespmem:v5+s11+$0x0] =	vst.idx.add.f32.msk $0xffff, v4  }
0x30e: {  	v5 =	vld [tilespmem:$0x50];
	_ =	sdelay $0x7  }
0x30f: {  	[tilespmem:v5+s11+$0x0] =	vst.idx.add.f32.msk $0xffff, v4  }
0x310: {  	v5 =	vld [tilespmem:$0x60];
	_ =	sdelay $0x7  }
0x311: {  	[tilespmem:v5+s11+$0x0] =	vst.idx.add.f32.msk $0xffff, v4  }
0x312: {  	v5 =	vld [tilespmem:$0x70];
	_ =	sdelay $0x7  }
0x313: {  	[tilespmem:v5+s11+$0x0] =	vst.idx.add.f32.msk $0xffff, v4  }
0x314: {  	[tilespmem:s3], [sflag:$0x2] =	stream.linear.gather [hbm4b:s18+s3], $0x80, $0x38;
	[tilespmem:$0xA080] =	vst v63  }
0x315: {  	_ =	swait.ge [sflag:s22], $0x80  }
0x316: {  	[sflag:s22] =	ssyncset.done $0x0  }
0x317: {  	[sflag:s22] =	ssyncadd.s32 $0xFFFFFF80  }
0x318: {  	v5 =	vld [tilespmem:$0x0];
	_ =	sdelay $0x4  }
0x319: {  	v6 =	vshll.u32 v5, $0x1  }
0x31a: {  	v5 =	vand.u32 $0x7, v5;
	v6 =	vand.u32 $0xFFFFFFF0, v6  }
0x31b: {  	v5 =	vor.u32 v5, v6  }
0x31c: {  	v6 =	vperm.xlane v5, v1;
	_ =	sdelay $0x1  }
0x31d: {  	v5 =	vperm.xlane v5, v3;
	v6 =	vadd.s32 v2, v6;
	_ =	sdelay $0x1  }
0x31e: {  	v5 =	vadd.s32 v2, v5;
	_ =	sdelay $0x2  }
0x31f: {  	[tilespmem:s23], [sflag:$0x1] =	stream.indirect_vreg.gather [hbm4b:s1+s3], $0x80, v6, vm0, $0xb8;
	[tilespmem:$0xA080] =	vst v63  }
0x320: {  	_ = 	snop  }
0x321: {  	[tilespmem:s24], [sflag:$0x1] =	stream.indirect_vreg.gather [hbm4b:s1+s3], $0x80, v5, vm0, $0xb8;
	[tilespmem:$0xA080] =	vst v63  }
0x322: {  	v5 =	vld [tilespmem:$0x10];
	_ =	sdelay $0x4  }
0x323: {  	v6 =	vshll.u32 v5, $0x1  }
0x324: {  	v5 =	vand.u32 $0x7, v5;
	v6 =	vand.u32 $0xFFFFFFF0, v6  }
0x325: {  	v5 =	vor.u32 v5, v6  }
0x326: {  	v6 =	vperm.xlane v5, v1;
	_ =	sdelay $0x1  }
0x327: {  	v5 =	vperm.xlane v5, v3;
	v6 =	vadd.s32 v2, v6;
	_ =	sdelay $0x1  }
0x328: {  	v5 =	vadd.s32 v2, v5;
	_ =	sdelay $0x2  }
0x329: {  	[tilespmem:s25], [sflag:$0x1] =	stream.indirect_vreg.gather [hbm4b:s1+s3], $0x80, v6, vm0, $0xb8;
	[tilespmem:$0xA080] =	vst v63  }
0x32a: {  	_ = 	snop  }
0x32b: {  	[tilespmem:s26], [sflag:$0x1] =	stream.indirect_vreg.gather [hbm4b:s1+s3], $0x80, v5, vm0, $0xb8;
	[tilespmem:$0xA080] =	vst v63  }
0x32c: {  	v5 =	vld [tilespmem:$0x20];
	_ =	sdelay $0x4  }
0x32d: {  	v6 =	vshll.u32 v5, $0x1  }
0x32e: {  	v5 =	vand.u32 $0x7, v5;
	v6 =	vand.u32 $0xFFFFFFF0, v6  }
0x32f: {  	v5 =	vor.u32 v5, v6  }
0x330: {  	v6 =	vperm.xlane v5, v1;
	_ =	sdelay $0x1  }
0x331: {  	v5 =	vperm.xlane v5, v3;
	v6 =	vadd.s32 v2, v6;
	_ =	sdelay $0x1  }
0x332: {  	v5 =	vadd.s32 v2, v5;
	_ =	sdelay $0x2  }
0x333: {  	[tilespmem:s28], [sflag:$0x1] =	stream.indirect_vreg.gather [hbm4b:s1+s3], $0x80, v6, vm0, $0xb8;
	[tilespmem:$0xA080] =	vst v63  }
0x334: {  	_ = 	snop  }
0x335: {  	[tilespmem:s29], [sflag:$0x1] =	stream.indirect_vreg.gather [hbm4b:s1+s3], $0x80, v5, vm0, $0xb8;
	[tilespmem:$0xA080] =	vst v63  }
0x336: {  	v5 =	vld [tilespmem:$0x30];
	_ =	sdelay $0x4  }
0x337: {  	v6 =	vshll.u32 v5, $0x1  }
0x338: {  	v5 =	vand.u32 $0x7, v5;
	v6 =	vand.u32 $0xFFFFFFF0, v6  }
0x339: {  	v5 =	vor.u32 v5, v6  }
0x33a: {  	v6 =	vperm.xlane v5, v1;
	_ =	sdelay $0x1  }
0x33b: {  	v5 =	vperm.xlane v5, v3;
	v6 =	vadd.s32 v2, v6;
	_ =	sdelay $0x1  }
0x33c: {  	v5 =	vadd.s32 v2, v5;
	_ =	sdelay $0x2  }
0x33d: {  	[tilespmem:s30], [sflag:$0x1] =	stream.indirect_vreg.gather [hbm4b:s1+s3], $0x80, v6, vm0, $0xb8;
	[tilespmem:$0xA080] =	vst v63  }
0x33e: {  	_ = 	snop  }
0x33f: {  	[tilespmem:s31], [sflag:$0x1] =	stream.indirect_vreg.gather [hbm4b:s1+s3], $0x80, v5, vm0, $0xb8;
	[tilespmem:$0xA080] =	vst v63  }
0x340: {  	v5 =	vld [tilespmem:$0x40];
	_ =	sdelay $0x4  }
0x341: {  	v6 =	vshll.u32 v5, $0x1  }
0x342: {  	v5 =	vand.u32 $0x7, v5;
	v6 =	vand.u32 $0xFFFFFFF0, v6  }
0x343: {  	v5 =	vor.u32 v5, v6  }
0x344: {  	v6 =	vperm.xlane v5, v1;
	_ =	sdelay $0x1  }
0x345: {  	v5 =	vperm.xlane v5, v3;
	v6 =	vadd.s32 v2, v6;
	_ =	sdelay $0x1  }
0x346: {  	v5 =	vadd.s32 v2, v5;
	_ =	sdelay $0x2  }
0x347: {  	[tilespmem:s2], [sflag:$0x1] =	stream.indirect_vreg.gather [hbm4b:s1+s3], $0x80, v6, vm0, $0xb8;
	[tilespmem:$0xA080] =	vst v63  }
0x348: {  	_ = 	snop  }
0x349: {  	[tilespmem:s0], [sflag:$0x1] =	stream.indirect_vreg.gather [hbm4b:s1+s3], $0x80, v5, vm0, $0xb8;
	[tilespmem:$0xA080] =	vst v63  }
0x34a: {  	v5 =	vld [tilespmem:$0x50];
	_ =	sdelay $0x4  }
0x34b: {  	v6 =	vshll.u32 v5, $0x1  }
0x34c: {  	v5 =	vand.u32 $0x7, v5;
	v6 =	vand.u32 $0xFFFFFFF0, v6  }
0x34d: {  	v5 =	vor.u32 v5, v6  }
0x34e: {  	v6 =	vperm.xlane v5, v1;
	_ =	sdelay $0x1  }
0x34f: {  	v5 =	vperm.xlane v5, v3;
	v6 =	vadd.s32 v2, v6;
	_ =	sdelay $0x1  }
0x350: {  	v5 =	vadd.s32 v2, v5;
	_ =	sdelay $0x2  }
0x351: {  	[tilespmem:s4], [sflag:$0x1] =	stream.indirect_vreg.gather [hbm4b:s1+s3], $0x80, v6, vm0, $0xb8;
	[tilespmem:$0xA080] =	vst v63  }
0x352: {  	_ = 	snop  }
0x353: {  	[tilespmem:s5], [sflag:$0x1] =	stream.indirect_vreg.gather [hbm4b:s1+s3], $0x80, v5, vm0, $0xb8;
	[tilespmem:$0xA080] =	vst v63  }
0x354: {  	v5 =	vld [tilespmem:$0x60];
	_ =	sdelay $0x4  }
0x355: {  	v6 =	vshll.u32 v5, $0x1  }
0x356: {  	v5 =	vand.u32 $0x7, v5;
	v6 =	vand.u32 $0xFFFFFFF0, v6  }
0x357: {  	v5 =	vor.u32 v5, v6  }
0x358: {  	v6 =	vperm.xlane v5, v1;
	_ =	sdelay $0x1  }
0x359: {  	v5 =	vperm.xlane v5, v3;
	v6 =	vadd.s32 v2, v6;
	_ =	sdelay $0x1  }
0x35a: {  	v5 =	vadd.s32 v2, v5;
	_ =	sdelay $0x2  }
0x35b: {  	[tilespmem:s6], [sflag:$0x1] =	stream.indirect_vreg.gather [hbm4b:s1+s3], $0x80, v6, vm0, $0xb8;
	[tilespmem:$0xA080] =	vst v63  }
0x35c: {  	_ = 	snop  }
0x35d: {  	[tilespmem:s7], [sflag:$0x1] =	stream.indirect_vreg.gather [hbm4b:s1+s3], $0x80, v5, vm0, $0xb8;
	[tilespmem:$0xA080] =	vst v63  }
0x35e: {  	v5 =	vld [tilespmem:$0x70];
	_ =	sdelay $0x4  }
0x35f: {  	v6 =	vshll.u32 v5, $0x1  }
0x360: {  	v5 =	vand.u32 $0x7, v5;
	v6 =	vand.u32 $0xFFFFFFF0, v6  }
0x361: {  	v5 =	vor.u32 v5, v6  }
0x362: {  	v6 =	vperm.xlane v5, v1;
	_ =	sdelay $0x1  }
0x363: {  	v5 =	vperm.xlane v5, v3;
	v6 =	vadd.s32 v2, v6;
	_ =	sdelay $0x1  }
0x364: {  	v5 =	vadd.s32 v2, v5;
	_ =	sdelay $0x2  }
0x365: {  	[tilespmem:s8], [sflag:$0x1] =	stream.indirect_vreg.gather [hbm4b:s1+s3], $0x80, v6, vm0, $0xb8;
	[tilespmem:$0xA080] =	vst v63  }
0x366: {  	_ = 	snop  }
0x367: {  	[tilespmem:s9], [sflag:$0x1] =	stream.indirect_vreg.gather [hbm4b:s1+s3], $0x80, v5, vm0, $0xb8;
	[tilespmem:$0xA080] =	vst v63  }
0x368: {  	_ =	swait.ge [sflag:s10], $0x8000  }
0x369: {  	[sflag:s10] =	ssyncset.done $0x0  }
0x36a: {  	[sflag:s10] =	ssyncadd.s32 $0xFFFF8000  }
0x36b: {  	[hbm4b:s19+s3] =	stream.linear.scatter [tilespmem:s23], [sflag:$0x2], $0x8000, $0x38;
	[tilespmem:$0xA080] =	vst v63  }
0x36c: {  	_ =	swait.ge [sflag:s22], $0x8000  }
0x36d: {  	[sflag:s22] =	ssyncset.done $0x0  }
0x36e: {  	[sflag:s22] =	ssyncadd.s32 $0xFFFF8000  }
0x36f: {  	v5 =	vld [tilespmem:$0x0];
	_ =	sdelay $0x7  }
0x370: {  	[tilespmem:v5+s11+$0x0] =	vst.idx.add.f32.msk $0xffff, v4  }
0x371: {  	v5 =	vld [tilespmem:$0x10];
	_ =	sdelay $0x7  }
0x372: {  	[tilespmem:v5+s11+$0x0] =	vst.idx.add.f32.msk $0xffff, v4  }
0x373: {  	v5 =	vld [tilespmem:$0x20];
	_ =	sdelay $0x7  }
0x374: {  	[tilespmem:v5+s11+$0x0] =	vst.idx.add.f32.msk $0xffff, v4  }
0x375: {  	v5 =	vld [tilespmem:$0x30];
	_ =	sdelay $0x7  }
0x376: {  	[tilespmem:v5+s11+$0x0] =	vst.idx.add.f32.msk $0xffff, v4  }
0x377: {  	v5 =	vld [tilespmem:$0x40];
	_ =	sdelay $0x7  }
0x378: {  	[tilespmem:v5+s11+$0x0] =	vst.idx.add.f32.msk $0xffff, v4  }
0x379: {  	v5 =	vld [tilespmem:$0x50];
	_ =	sdelay $0x7  }
0x37a: {  	[tilespmem:v5+s11+$0x0] =	vst.idx.add.f32.msk $0xffff, v4  }
0x37b: {  	v5 =	vld [tilespmem:$0x60];
	_ =	sdelay $0x7  }
0x37c: {  	[tilespmem:v5+s11+$0x0] =	vst.idx.add.f32.msk $0xffff, v4  }
0x37d: {  	v5 =	vld [tilespmem:$0x70];
	_ =	sdelay $0x5  }
0x37e: {  	s12 =	sadd.s32 $0x1, s12  }
0x37f: {  	p0 =	sne.s32 s12, s21  }
.Ltmp1:
0x380: {  	s14 =	simm.s32 $0x400;
	[tilespmem:v5+s11+$0x0] =	vst.idx.add.f32.msk $0xffff, v4;
	(pc) =	sbr.rel @p0 .LBB2_1-.Ltmp1, $4  }
0x381: {  	[hbm4b:s20+s23] =	stream.strided.scatter [tilespmem:s11], [sflag:$0x2], $0x2000, s14, s23, $0x38;
	[tilespmem:$0xA080] =	vst v63  }
0x382: {  	_ =	swait.ge [sflag:s22], $0x2000  }
0x383: {  	[sflag:s22] =	ssyncset.done $0x0  }
0x384: {  	[sflag:s22] =	ssyncadd.s32 $0xFFFFE000  }
0x385: {  	_ =	sfence.sel $0x180000  }
0x386: {  	[bflag:$0x0] =	sbarrier.arrive $0xFFFF  }
0x387: {  	_ =	strace $0x9000004A  }
0x388: {  	s0 =	stileid.u32;
	[bflag:$0x2] =	sbarrier.arrive $0xFFFF  }
0x389: {  	p0 =	sne.s32 s0, $0x0;
	s0 =	rddreg [dreg:$0x3]  }
0x38a: {  	s0 =	sadd.s32 @!p0 $0x100000, s0  }
0x38b: {  	[sflag:s0] =	ssyncadd.tile.s32 @!p0 $0x1;
	_ =	shalt  }
.Lfunc_end2:
_tile_overlayer_lowered:
.L_overlay_start_2:
0x38c: {  	(tag) =	ssettag $0x2  }
0x38d: {  	s0 =	rddreg [dreg:$0x0];
	s2 =	stileid.u32  }
0x38e: {  	s1 =	rddreg [dreg:$0x1];
	p0 =	sne.s32 s2, $0x0  }
0x38f: {  	s3 =	rddreg [dreg:$0x2];
	[bflag:$0x3] =	sbarrier.arrive $0xFFFF;
	s2 =	simm.s32 @!p0 $0x1C02  }
0x390: {  	[timem:s3], [sflag:s2] =	dma.local @!p0 [hbm:s0], s1  }
0x391: {  	s0 =	simm.s32 @!p0 $0x2  }
0x392: {  	_ =	swait.ge @!p0 [sflag:s0], s1  }
0x393: {  	s1 =	ssub.s32 @!p0 $0x0, s1;
	[sflag:s0] =	ssyncset.done @!p0 $0x0  }
0x394: {  	[sflag:s0] =	ssyncadd.s32 @!p0 s1  }
0x395: {  	[bflag:$0x3] =	sbarrier.arrive $0xFFFF  }
0x396: {  	_ =	shalt  }

// kernel: scatter_offload_async_start
scs
__scs_entry_jumppad:
0x0: {  	(pc) =	sbr.rel $0x88, $3  }
0x1: {  	(tag) =	ssettag $0x0;
	lr =	simm.s32 $0x1  }
0x2: {  	[smem:$0x3F9F] =	sst lr;
	_ =	strace $0xD0000000  }
0x3: {  	_ = 	snop  }
0x4: {  	_ = 	snop  }
0x5: {  	_ = 	snop  }
0x6: {  	_ = 	snop  }
0x7: {  	_ = 	snop  }
__scs_overlays_trampoline_lowered:
0x8: {  	[smem:$0x3FAE] =	sst s0  }
0x9: {  	[smem:$0x3FAF] =	sst s1  }
0xa: {  	[smem:$0x3FB0] =	sst s2  }
0xb: {  	[smem:$0x3FB1] =	sst s3  }
0xc: {  	[smem:$0x3FB2] =	sst s4  }
0xd: {  	[smem:$0x3FB3] =	sst s5  }
0xe: {  	[smem:$0x3FB4] =	sst s6  }
0xf: {  	[smem:$0x3FB5] =	sst s7  }
0x10: {  	[smem:$0x3FB6] =	sst s8  }
0x11: {  	[smem:$0x3FB7] =	sst s9;
	s0 =	simm.s32 @!p0 $0x0  }
0x12: {  	s1 =	sld [smem:$0x3F9D];
	s0 =	simm.s32 @p0 $0x1  }
0x13: {  	[smem:$0x3FB8] =	sst s0;
	s0 =	simm.s32 @!p1 $0x0  }
0x14: {  	s2 =	sld [smem:$0x3F9C];
	s0 =	simm.s32 @p1 $0x1  }
0x15: {  	[smem:$0x3FB9] =	sst s0;
	s0 =	simm.s32 @!p2 $0x0  }
0x16: {  	s3 =	sld [smem:$0x3FDB];
	s0 =	simm.s32 @p2 $0x1  }
0x17: {  	s4 =	simm.s32 $0x1BF5;
	[smem:$0x3FBB] =	sst s0  }
0x18: {  	s0 =	sld [smem:$0x3F9E];
	_ =	swait.ge [sflag:s4], $0x0  }
0x19: {  	s7 =	sld [smem:$0x3F9F]  }
0x1a: {  	s8 =	sadd.s32 $0xFFFFE003, lr  }
0x1b: {  	s9 =	sadd.s32 $0xFFFFFEF7, lr;
	s5 =	simm.s32 $0xFFFFFFFF;
	p2 =	slt.u32 s8, $0xFFFFF086  }
0x1c: {  	p1 =	slt.u32 s9, $0xF7A;
	s5 =	simm.s32 @!p2 $0x0  }
0x1d: {  	s5 =	simm.s32 @p1 $0x1;
	p0 =	seq.s32 s7, s2  }
0x1e: {  	s7 =	smul.u32 @!p0 $0xF7A, s2;
	p2 =	seq.s32 @!p0 s5, $0x0  }
0x1f: {  	s9 =	smul.u32 $0xF7A, s1;
	s8 =	simm.s32 @!p0 $0x1BF5;
	p2 =	por !p2, p0  }
0x20: {  	[sflag:s8] =	ssyncset.s32 @!p0 $0xFFFFF086;
	s6 =	sadd.s32 @!p0 s3, s7;
	s7 =	simm.s32 @!p0 $0x108  }
0x21: {  	s3 =	sadd.s32 s3, s9;
	s6 =	sadd.s32 @!p0 $0x88, s6;
	s7 =	simm.s32 @p2 $0x1082  }
0x22: {  	[simem:s7], [sflag:s8] =	dma.local @!p0 [hbm:s6], $0xF7A  }
0x23: {  	s9 =	sor.u32 $0xD0000000, s2;
	s6 =	simm.s32 $0x108;
	_ =	swait.ge @!p0 [sflag:s8], $0x0  }
0x24: {  	s3 =	sadd.s32 $0x88, s3;
	s6 =	simm.s32 @!p1 $0x1082;
	[sflag:s4] =	ssyncset.s32 $0xFFFFF086  }
0x25: {  	[simem:s6], [sflag:s4] =	dma.local [hbm:s3], $0xF7A  }
0x26: {  	[smem:$0x3F9F] =	sst s1;
	(tag) =	ssettag s2;
	_ =	strace s9  }
0x27: {  	s1 =	sld [smem:$0x3FAF]  }
0x28: {  	s2 =	sld [smem:$0x3FB0]  }
0x29: {  	s4 =	sld [smem:$0x3FB2]  }
0x2a: {  	p0 =	seq.s32 s5, $0x0;
	s5 =	sld [smem:$0x3FB3]  }
0x2b: {  	s6 =	sld [smem:$0x3FB4]  }
0x2c: {  	s7 =	sld [smem:$0x3FB5]  }
0x2d: {  	s3 =	simm.s32 $0x108;
	s8 =	sld [smem:$0x3FB6]  }
0x2e: {  	s3 =	simm.s32 @!p0 $0x1082;
	s9 =	sld [smem:$0x3FB7]  }
0x2f: {  	lr =	sadd.s32 s0, s3;
	s0 =	sld [smem:$0x3FAE]  }
0x30: {  	s3 =	sld [smem:$0x3FB1]  }
0x31: {  	[smem:$0x3FBA] =	sst s10  }
0x32: {  	s10 =	sld [smem:$0x3FB8];
	_ =	sdelay $0x3  }
0x33: {  	p0 =	seq.s32 s10, $0x1;
	s10 =	sld [smem:$0x3FBA];
	_ =	sdelay $0x3  }
0x34: {  	[smem:$0x3FBA] =	sst s10  }
0x35: {  	s10 =	sld [smem:$0x3FB9];
	_ =	sdelay $0x3  }
0x36: {  	p1 =	seq.s32 s10, $0x1;
	s10 =	sld [smem:$0x3FBA];
	_ =	sdelay $0x3  }
0x37: {  	[smem:$0x3FBA] =	sst s10  }
0x38: {  	s10 =	sld [smem:$0x3FBB]  }
0x39: {  	_ = 	snop;
	(pc) =	sbr.ind lr, $3  }
0x3a: {  	_ = 	snop  }
0x3b: {  	_ = 	snop  }
0x3c: {  	p2 =	seq.s32 s10, $0x1;
	s10 =	sld [smem:$0x3FBA]  }
0x3d: {  	_ =	shalt  }
0x3e: {  	_ =	shalt  }
0x3f: {  	_ =	shalt  }
0x40: {  	_ =	shalt  }
0x41: {  	_ =	shalt  }
0x42: {  	_ =	shalt  }
0x43: {  	_ =	shalt  }
0x44: {  	_ =	shalt  }
0x45: {  	_ =	shalt  }
0x46: {  	_ =	shalt  }
0x47: {  	_ =	shalt  }
0x48: {  	_ =	shalt  }
0x49: {  	_ =	shalt  }
0x4a: {  	_ =	shalt  }
0x4b: {  	_ =	shalt  }
0x4c: {  	_ =	shalt  }
0x4d: {  	_ =	shalt  }
0x4e: {  	_ =	shalt  }
0x4f: {  	_ =	shalt  }
0x50: {  	_ =	shalt  }
0x51: {  	_ =	shalt  }
0x52: {  	_ =	shalt  }
0x53: {  	_ =	shalt  }
0x54: {  	_ =	shalt  }
0x55: {  	_ =	shalt  }
0x56: {  	_ =	shalt  }
0x57: {  	_ =	shalt  }
0x58: {  	_ =	shalt  }
0x59: {  	_ =	shalt  }
0x5a: {  	_ =	shalt  }
0x5b: {  	_ =	shalt  }
0x5c: {  	_ =	shalt  }
0x5d: {  	_ =	shalt  }
0x5e: {  	_ =	shalt  }
0x5f: {  	_ =	shalt  }
0x60: {  	_ =	shalt  }
0x61: {  	_ =	shalt  }
0x62: {  	_ =	shalt  }
0x63: {  	_ =	shalt  }
0x64: {  	_ =	shalt  }
0x65: {  	_ =	shalt  }
0x66: {  	_ =	shalt  }
0x67: {  	_ =	shalt  }
0x68: {  	_ =	shalt  }
0x69: {  	_ =	shalt  }
0x6a: {  	_ =	shalt  }
0x6b: {  	_ =	shalt  }
0x6c: {  	_ =	shalt  }
0x6d: {  	_ =	shalt  }
0x6e: {  	_ =	shalt  }
0x6f: {  	_ =	shalt  }
0x70: {  	_ =	shalt  }
0x71: {  	_ =	shalt  }
0x72: {  	_ =	shalt  }
0x73: {  	_ =	shalt  }
0x74: {  	_ =	shalt  }
0x75: {  	_ =	shalt  }
0x76: {  	_ =	shalt  }
0x77: {  	_ =	shalt  }
0x78: {  	_ =	shalt  }
0x79: {  	_ =	shalt  }
0x7a: {  	_ =	shalt  }
0x7b: {  	_ =	shalt  }
0x7c: {  	_ =	shalt  }
0x7d: {  	_ =	shalt  }
0x7e: {  	_ =	shalt  }
0x7f: {  	_ =	shalt  }
0x80: {  	_ =	shalt  }
0x81: {  	_ =	shalt  }
0x82: {  	_ =	shalt  }
0x83: {  	_ =	shalt  }
0x84: {  	_ =	shalt  }
0x85: {  	_ =	shalt  }
0x86: {  	_ =	shalt  }
0x87: {  	_ =	shalt  }
.Lfunc_end0:
.L_simem_size_0:
called_computation_lowered:
.L_overlay_start_0:
0x88: {  	s0 =	sld [smem:$0x3FD9]  }
0x89: {  	s1 =	sld [smem:$0x3FFE];
	_ =	sdelay $0x3  }
0x8a: {  	s0 =	sadd.s32 s1, s0  }
0x8b: {  	[smem:$0x3FC6] =	sst s0  }
0x8c: {  	_ = 	snop  }
0x8d: {  	(tm) =	ssettm $0x1  }
0x8e: {  	s15 =	sld [smem:$0x3FFB];
	_ =	sdelay $0x3  }
0x8f: {  	_ =	strace s15  }
0x90: {  	s0 =	sld [smem:$0x3FFC];
	_ =	sdelay $0x3  }
0x91: {  	_ =	strace s0  }
0x92: {  	s0 =	sld [smem:$0x3FFD];
	_ =	sdelay $0x3  }
0x93: {  	_ =	strace s0  }
0x94: {  	_ =	strace $0x8FFFFFFF  }
0x95: {  	s16 =	sld [smem:$0x3FDB];
	_ =	sdelay $0x1  }
0x96: {  	s17 =	simm.s32 $_scs_section_size  }
0x97: {  	s2 =	simm.s32 $_size__tile_overlayer_lowered;
	s3 =	simm.s32 $_tile_overlayer_lowered  }
0x98: {  	s20 =	simm.s32 $0x1BFF;
	s19 =	sshll.u32 s3, $0x1;
	s0 =	sadd.s32 s17, s16  }
0x99: {  	s4 =	simm.s32 $0x0;
	s18 =	sshll.u32 s2, $0x1;
	s2 =	sadd.s32 s19, s0  }
0x9a: {  	[timem:s4], [sflag:s20] =	dma.local [hbm:s2], s18  }
0x9b: {  	_ =	swait.ge [sflag:s20], s18  }
0x9c: {  	s1 =	ssub.s32 $0x0, s18;
	[sflag:s20] =	ssyncset.done $0x0  }
0x9d: {  	[sflag:s20] =	ssyncadd.s32 s1;
	_ =	sdelay $0x1  }
0x9e: {  	s21 =	simm.s32 $0x1B8B  }
0x9f: {  	_ =	swait.ge [sflag:s21], $0x1  }
0xa0: {  	[sflag:s21] =	ssyncset.done $0x0  }
0xa1: {  	s23 =	simm.s32 $0x1B8E;
	s22 =	sld [smem:$0x3FFE];
	[sflag:s21] =	ssyncadd.s32 $0xFFFFFFFF  }
0xa2: {  	s24 =	simm.s32 $execute0_lowered;
	[smem:$0x3FD2] =	sst s23  }
0xa3: {  	s2 =	sshll.u32 s24, $0x1;
	_ =	strace $0x80000046;
	[dreg:$0x1] =	wrdreg $0xFFFFFFFF  }
0xa4: {  	s25 =	simm.s32 $_size_execute0_lowered;
	s0 =	sadd.s32 s0, s2;
	[dreg:$0x0] =	wrdreg $0x0  }
0xa5: {  	s2 =	sshll.u32 s25, $0x1;
	[dreg:$0x2] =	wrdreg s0  }
0xa6: {  	[dreg:$0x3] =	wrdreg s2  }
0xa7: {  	[dreg:$0x4] =	wrdreg $0xC0  }
0xa8: {  	_ =	task [dreg:s4], $0x5FFFF  }
0xa9: {  	[dreg:$0x1] =	wrdreg $0xFFFFFFFF  }
0xaa: {  	[dreg:$0x0] =	wrdreg $0x60  }
0xab: {  	[dreg:$0x2] =	wrdreg s22  }
0xac: {  	[dreg:$0x3] =	wrdreg $0x9  }
0xad: {  	_ =	task.clear_ibuf [dreg:s4], $0x4FFFF;
	_ =	strace $0x90000046  }
0xae: {  	s26 =	simm.s32 $0x9;
	_ =	strace $0x80000048  }
0xaf: {  	_ =	swait.ge [sflag:s26], $0x1  }
0xb0: {  	[sflag:s26] =	ssyncadd.s32 $0xFFFFFFFF  }
0xb1: {  	_ =	strace $0x90000048  }
0xb2: {  	_ =	sfence  }
0xb3: {  	s28 =	sld [smem:$0x0];
	_ =	sdelay $0x1  }
0xb4: {  	s29 =	srdreg.scid  }
0xb5: {  	s30 =	sshll.u32 s29, $0xD;
	s31 =	sshrl.u32 s29, $0x2  }
0xb6: {  	s1 =	sand.u32 $0x1, s29;
	s2 =	sand.u32 $0x4000, s30;
	s0 =	sadd.s32 s31, s28  }
0xb7: {  	s1 =	sor.u32 s2, s1;
	s0 =	sshll.u32 s0, $0x11  }
0xb8: {  	s0 =	sor.u32 s0, s1  }
0xb9: {  	s0 =	sadd.s32 $0x8F2B, s0  }
0xba: {  	[sflag:s0] =	ssyncadd.remote.s32 $0x1  }
0xbb: {  	_ =	sfence.sel $0xFFFF  }
0xbc: {  	[dreg:$0x0] =	wrdreg $0xFFFFFFFF;
	(pc) =	sbr.abs _section_cstart, $3  }
0xbd: {  	[dreg:$0x1] =	wrdreg $0xFFFFFFFF  }
0xbe: {  	_ =	task.clear_ibuf [dreg:s4], $0x2FFFF;
	_ =	strace $0x9FFFFFFF  }
0xbf: {  	(tm) =	ssettm $0x7FFFFFFF  }
tec
execute0_lowered:
.L_overlay_start_1:
0x0: {  	(tag) =	ssettag $0x1  }
0x1: {  	s2 =	rddreg [dreg:$0x0]  }
0x2: {  	s0 =	rddreg [dreg:$0x1];
	_ =	strace $0x80000047;
	s3 =	stileid.u32  }
0x3: {  	s4 =	simm.s32 $0x3E;
	s1 =	sadd.s32 $0x3000, s2;
	p0 =	sne.s32 s3, $0x0  }
0x4: {  	[sflag:s4] =	ssyncpa.u1 $0x0;
	s5 =	simm.s32 @!p0 $0x1C3E;
	s6 =	simm.s32 @!p0 $0x0  }
0x5: {  	[spmem:s6], [sflag:s5] =	dma.local @!p0 [hbm:s1], $0x400  }
0x6: {  	s5 =	simm.s32 @!p0 $0x3E  }
0x7: {  	_ =	swait.ge @!p0 [sflag:s5], $0x400  }
0x8: {  	[sflag:s5] =	ssyncset.done @!p0 $0x0  }
0x9: {  	s26 =	simm.s32 $0x1;
	[sflag:s5] =	ssyncadd.s32 @!p0 $0xFFFFFC00  }
0xa: {  	s29 =	simm.s32 $0x2;
	s7 =	simm.s32 $0xA00;
	[bflag:$0x0] =	sbarrier.arrive $0xFFFF  }
0xb: {  	s28 =	sadd.s32 $0x1000, s2;
	s30 =	sadd.s32 $0x2000, s2;
	[sflag:s4] =	ssyncpa.u1 $0x1  }
0xc: {  	s3 =	sshll.u32 s3, $0x8;
	s2 =	simm.s32 $0x0;
	[sflag:s26] =	ssyncpa.u1 $0x0  }
0xd: {  	s4 =	sadd.s32 s28, s3;
	(ifvalue) =	ssetifvalue $0x2000;
	[sflag:s29] =	ssyncpa.u1 $0x0  }
0xe: {  	[tilespmem:s7], [sflag:$0x2] =	stream.linear.gather [hbm4b:s4+s2], $0x800, $0x38;
	[tilespmem:$0x2200] =	vst v63  }
0xf: {  	s31 =	sadd.s32 s30, s3;
	s3 =	simm.s32 $0x1A00  }
0x10: {  	[tilespmem:s3], [sflag:$0x2] =	stream.linear.gather [hbm4b:s31+s2], $0x800, $0x38;
	[tilespmem:$0x2200] =	vst v63  }
0x11: {  	_ =	swait.ge [sflag:s29], $0x1000  }
0x12: {  	[sflag:s29] =	ssyncset.done $0x0  }
0x13: {  	[sflag:s29] =	ssyncadd.s32 $0xFFFFF000  }
0x14: {  	v0 =	vld.msk [tilespmem:s7+$0x0 ss:$0x1], $0xffff;
	_ =	sdelay $0x4  }
0x15: {  	v0 =	vmin.u32 v0, $0x2000;
	_ =	sdelay $0x3  }
0x16: {  	vm0 =	vmmov $0xffff;
	s5 =	simm.s32 $0xA10;
	s4 =	simm.s32 $0x0  }
0x17: {  	[spmem:s2] =	stream.indirect_vreg.scatter.add.s32 [tilespmem:s3], [sflag:$0x1], $0x1, v0, vm0, $0x4038;
	[tilespmem:$0x2200] =	vst v63  }
.LBB2_1:
0x18: {  	v0 =	vld.msk [tilespmem:s5+$0x0 ss:$0x1], $0xffff;
	s4 =	sadd.s32 $0x10, s4  }
0x19: {  	p1 =	slt.u32 s4, $0x7F0;
	_ =	sdelay $0x4  }
0x1a: {  	v0 =	vmin.u32 v0, $0x2000  }
.Ltmp0:
0x1b: {  	(pc) =	sbr.rel @p1 .LBB2_1-.Ltmp0, $3  }
0x1c: {  	_ =	sdelay $0x1  }
0x1d: {  	s5 =	sadd.s32 $0x10, s5;
	s3 =	sadd.s32 $0x10, s3  }
0x1e: {  	[spmem:s2] =	stream.indirect_vreg.scatter.add.s32 [tilespmem:s3], [sflag:$0x1], $0x1, v0, vm0, $0x4038;
	[tilespmem:$0x2200] =	vst v63  }
0x1f: {  	s2 =	simm.s32 $0x1  }
0x20: {  	_ =	swait.ge [sflag:s2], $0x800  }
0x21: {  	[sflag:s2] =	ssyncset.done $0x0  }
0x22: {  	[sflag:s2] =	ssyncadd.s32 $0xFFFFF800  }
0x23: {  	_ =	sfence.sel $0x180000  }
0x24: {  	s3 =	simm.s32 $0x2;
	[bflag:$0x0] =	sbarrier.arrive $0xFFFF  }
0x25: {  	[sflag:s3] =	ssyncpa.u1 $0x1  }
0x26: {  	[sflag:s2] =	ssyncpa.u1 $0x1  }
0x27: {  	_ =	sfence.stream.spmem  }
0x28: {  	s31 =	simm.s32 $0x3D;
	[bflag:$0x0] =	sbarrier.arrive $0xFFFF  }
0x29: {  	s2 =	simm.s32 @p0 $0x3D;
	[sflag:s31] =	ssyncpa.u1 $0x0  }
0x2a: {  	[sflag:s2] =	ssyncpa.u1 @p0 $0x1  }
0x2b: {  	[bflag:$0x0] =	sbarrier.arrive @p0 $0xFFFF  }
0x2c: {  	_ =	strace @p0 $0x90000047  }
0x2d: {  	s3 =	simm.s32 @!p0 $0x1C3D;
	s2 =	simm.s32 @!p0 $0x0;
	[bflag:$0x2] =	sbarrier.arrive @p0 $0xFFFF  }
0x2e: {  	[hbm:s1], [sflag:s3] =	dma.local @!p0 [spmem:s2], $0x400  }
0x2f: {  	s1 =	simm.s32 @!p0 $0x3D  }
0x30: {  	_ =	swait.ge @!p0 [sflag:s1], $0x400  }
0x31: {  	[sflag:s1] =	ssyncset.done @!p0 $0x0  }
0x32: {  	[sflag:s1] =	ssyncadd.s32 @!p0 $0xFFFFFC00  }
0x33: {  	[sflag:s1] =	ssyncpa.u1 @!p0 $0x1  }
0x34: {  	[bflag:$0x0] =	sbarrier.arrive @!p0 $0xFFFF  }
0x35: {  	_ =	strace @!p0 $0x90000047  }
0x36: {  	s0 =	sadd.s32 @!p0 $0x100000, s0;
	[bflag:$0x2] =	sbarrier.arrive @!p0 $0xFFFF  }
0x37: {  	[sflag:s0] =	ssyncadd.tile.s32 @!p0 $0x1;
	_ =	shalt  }
.Lfunc_end2:
_tile_overlayer_lowered:
.L_overlay_start_2:
0x38: {  	(tag) =	ssettag $0x2  }
0x39: {  	s0 =	rddreg [dreg:$0x0];
	s2 =	stileid.u32  }
0x3a: {  	s1 =	rddreg [dreg:$0x1];
	p0 =	sne.s32 s2, $0x0  }
0x3b: {  	s3 =	rddreg [dreg:$0x2];
	[bflag:$0x3] =	sbarrier.arrive $0xFFFF;
	s2 =	simm.s32 @!p0 $0x1C01  }
0x3c: {  	[timem:s3], [sflag:s2] =	dma.local @!p0 [hbm:s0], s1  }
0x3d: {  	s0 =	simm.s32 @!p0 $0x1  }
0x3e: {  	_ =	swait.ge @!p0 [sflag:s0], s1  }
0x3f: {  	s1 =	ssub.s32 @!p0 $0x0, s1;
	[sflag:s0] =	ssyncset.done @!p0 $0x0  }
0x40: {  	[sflag:s0] =	ssyncadd.s32 @!p0 s1  }
0x41: {  	[bflag:$0x3] =	sbarrier.arrive $0xFFFF  }
0x42: {  	_ =	shalt  }

</sc_bundles>
